<compile_context>
chip_gen: v7x
topology: tpu7x:2x2x1
jax: 0.10.2.dev20260603
libtpu: 0.0.44.dev20260713+nightly
codegen_flags: <defaults>
</compile_context>

<pallas_src>
import functools

import jax
import jax.numpy as jnp
from jax import lax
from jax.experimental import pallas as pl
from jax.experimental.pallas import tpu as pltpu
from jax.experimental.pallas import tpu_sc as plsc

N = 10000
E = 320000
D = 128

NC = 2
NS = 16
NW = NC * NS

NP = 10240
ROWS_PER_TILE = NP // NS

CHUNK = 128
CPW = 79
EP = NW * CPW * CHUNK

R = 1024
GRID = NP // R



@functools.cache
def _sc_kernels():
    mesh = plsc.VectorSubcoreMesh(
        core_axis_name="c", subcore_axis_name="s", num_cores=NC, num_subcores=NS
    )
    deg_k = _make_deg_kernel(mesh)
    agg_k = _make_agg_kernel(mesh)
    return deg_k, agg_k


DW = 16


def _make_deg_kernel(mesh):
    @functools.partial(
        pl.kernel,
        out_type=jax.ShapeDtypeStruct((NC, NP, DW), jnp.float32),
        mesh=mesh,
        scratch_types=[
            pltpu.VMEM((CHUNK,), jnp.int32),
            pltpu.VMEM((CHUNK, DW), jnp.float32),
            pltpu.VMEM((64, DW), jnp.float32),
            pltpu.VMEM_SHARED((NP, DW), jnp.float32),
        ],
    )
    def _deg_kernel(dst_hbm, out_hbm, didx, onesb, zbuf, acc):
        cid = lax.axis_index("c")
        sid = lax.axis_index("s")
        wid = sid * NC + cid

        zeros = jnp.zeros((16,), jnp.float32)
        ones = jnp.ones((16,), jnp.float32)

        def fbody(i, _):
            r = i % 64
            zbuf[r, pl.ds(0, 16)] = zeros
            onesb[i, pl.ds(0, 16)] = ones
            return 0

        lax.fori_loop(0, CHUNK, fbody, 0)
        for t in range(ROWS_PER_TILE // 64):
            pltpu.sync_copy(zbuf, acc.at[pl.ds(sid * ROWS_PER_TILE + t * 64, 64)])
        plsc.subcore_barrier()

        def body(k, _):
            base = (wid * CPW + k) * CHUNK
            pltpu.sync_copy(dst_hbm.at[pl.ds(base, CHUNK)], didx)
            pltpu.sync_copy(onesb, acc.at[didx], add=True)
            return 0

        lax.fori_loop(0, CPW, body, 0)
        plsc.subcore_barrier()

        pltpu.sync_copy(
            acc.at[pl.ds(sid * ROWS_PER_TILE, ROWS_PER_TILE)],
            out_hbm.at[cid, pl.ds(sid * ROWS_PER_TILE, ROWS_PER_TILE)],
        )

    return _deg_kernel


def _make_agg_kernel(mesh):
    @functools.partial(
        pl.kernel,
        out_type=jax.ShapeDtypeStruct((NC, NP, D), jnp.float32),
        mesh=mesh,
        scratch_types=[
            pltpu.VMEM((CHUNK,), jnp.int32),
            pltpu.VMEM((CHUNK,), jnp.int32),
            pltpu.VMEM((CHUNK, D), jnp.float32),
            pltpu.VMEM((64, D), jnp.float32),
            pltpu.VMEM_SHARED((NP, D), jnp.float32),
            pltpu.SemaphoreType.DMA,
        ],
    )
    def _agg_kernel(g_hbm, src_hbm, dst_hbm, out_hbm, sidx, didx, rows, zbuf, acc, sem):
        cid = lax.axis_index("c")
        sid = lax.axis_index("s")
        wid = sid * NC + cid

        zeros = jnp.zeros((16,), jnp.float32)

        def zbody(i, _):
            r = i // 8
            j = i % 8
            zbuf[r, pl.ds(j * 16, 16)] = zeros
            return 0

        lax.fori_loop(0, 64 * 8, zbody, 0)
        for t in range(ROWS_PER_TILE // 64):
            pltpu.sync_copy(zbuf, acc.at[pl.ds(sid * ROWS_PER_TILE + t * 64, 64)])
        plsc.subcore_barrier()

        def body(k, _):
            base = (wid * CPW + k) * CHUNK
            pltpu.sync_copy(src_hbm.at[pl.ds(base, CHUNK)], sidx)
            pltpu.sync_copy(dst_hbm.at[pl.ds(base, CHUNK)], didx)
            pltpu.async_copy(g_hbm.at[sidx], rows, sem).wait()
            pltpu.sync_copy(rows, acc.at[didx], add=True)
            return 0

        lax.fori_loop(0, CPW, body, 0)
        plsc.subcore_barrier()

        pltpu.sync_copy(
            acc.at[pl.ds(sid * ROWS_PER_TILE, ROWS_PER_TILE)],
            out_hbm.at[cid, pl.ds(sid * ROWS_PER_TILE, ROWS_PER_TILE)],
        )

    return _agg_kernel


def _prep_body(hist_ref, x_ref, w_ref, g_ref, dinv_ref):
    deg = jnp.sum(hist_ref[...], axis=(0, 2)) + 1.0
    di = lax.rsqrt(deg)
    h = jnp.dot(x_ref[...], w_ref[...], preferred_element_type=jnp.float32)
    g_ref[...] = di[:, None] * h
    dinv_ref[...] = di[:, None]


def _mid_body(p_ref, g1_ref, dinv_ref, b_ref, w_ref, g2_ref):
    di = dinv_ref[...]
    s = p_ref[0] + p_ref[1] + g1_ref[...]
    z = jnp.maximum(di * s + b_ref[...], 0.0)
    g2_ref[...] = di * jnp.dot(z, w_ref[...], preferred_element_type=jnp.float32)


def _fin_body(p_ref, g2_ref, dinv_ref, b_ref, out_ref):
    s = p_ref[0] + p_ref[1] + g2_ref[...]
    out_ref[...] = dinv_ref[...] * s + b_ref[...]


def _prep_call(hist, x_pad, W1):
    return pl.pallas_call(
        _prep_body,
        grid=(GRID,),
        in_specs=[
            pl.BlockSpec((NC, R, DW), lambda i: (0, i, 0)),
            pl.BlockSpec((R, D), lambda i: (i, 0)),
            pl.BlockSpec((D, D), lambda i: (0, 0)),
        ],
        out_specs=[
            pl.BlockSpec((R, D), lambda i: (i, 0)),
            pl.BlockSpec((R, 1), lambda i: (i, 0)),
        ],
        out_shape=[
            jax.ShapeDtypeStruct((NP, D), jnp.float32),
            jax.ShapeDtypeStruct((NP, 1), jnp.float32),
        ],
    )(hist, x_pad, W1)


def _mid_call(p, g1, dinv, b1, W2):
    return pl.pallas_call(
        _mid_body,
        grid=(GRID,),
        in_specs=[
            pl.BlockSpec((NC, R, D), lambda i: (0, i, 0)),
            pl.BlockSpec((R, D), lambda i: (i, 0)),
            pl.BlockSpec((R, 1), lambda i: (i, 0)),
            pl.BlockSpec((1, D), lambda i: (0, 0)),
            pl.BlockSpec((D, D), lambda i: (0, 0)),
        ],
        out_specs=pl.BlockSpec((R, D), lambda i: (i, 0)),
        out_shape=jax.ShapeDtypeStruct((NP, D), jnp.float32),
    )(p, g1, dinv, b1, W2)


def _fin_call(p, g2, dinv, b2):
    return pl.pallas_call(
        _fin_body,
        grid=(GRID,),
        in_specs=[
            pl.BlockSpec((NC, R, D), lambda i: (0, i, 0)),
            pl.BlockSpec((R, D), lambda i: (i, 0)),
            pl.BlockSpec((R, 1), lambda i: (i, 0)),
            pl.BlockSpec((1, D), lambda i: (0, 0)),
        ],
        out_specs=pl.BlockSpec((R, D), lambda i: (i, 0)),
        out_shape=jax.ShapeDtypeStruct((NP, D), jnp.float32),
    )(p, g2, dinv, b2)


def kernel(x, edge_index, W1, b1, W2, b2):
    src = edge_index[0].astype(jnp.int32)
    dst = edge_index[1].astype(jnp.int32)

    pad = EP - E
    srcp = jnp.concatenate([src, jnp.zeros((pad,), jnp.int32)])
    dstp = jnp.concatenate([dst, jnp.full((pad,), N, jnp.int32)])

    x_pad = jnp.zeros((NP, D), jnp.float32).at[:N].set(x)

    deg_k, agg_k = _sc_kernels()
    hist = deg_k(dstp)
    g1, dinv = _prep_call(hist, x_pad, W1)
    p1 = agg_k(g1, srcp, dstp)
    g2 = _mid_call(p1, g1, dinv, b1.reshape(1, D), W2)
    p2 = agg_k(g2, srcp, dstp)
    out = _fin_call(p2, g2, dinv, b2.reshape(1, D))
    return out[:N]

# --- scband reference (transcript-rebuilt; emitter-appended) ---
"""Pipeline reference for scband-gcnencoder-89300960019180 (READ-ONLY COPY).

The authoritative reference and input builder live on the scoring server;
editing this copy changes nothing except your own understanding.
"""

import jax, jax.numpy as jnp
import numpy as np

N = 10000
E = 320000
D_IN = 128
D_HID = 128
D_LAT = 128


def gcn_conv(x, src, dst, W, b, n):
    # PyG GCNConv: linear transform, add self-loops, symmetric normalization, scatter-add aggregate
    h = x @ W
    loop = jnp.arange(n, dtype=src.dtype)
    src_f = jnp.concatenate([src, loop])
    dst_f = jnp.concatenate([dst, loop])
    edge_weight = jnp.ones((src_f.shape[0],), dtype=h.dtype)
    deg = jax.ops.segment_sum(edge_weight, dst_f, num_segments=n)
    deg_inv_sqrt = jnp.where(deg > 0, 1.0 / jnp.sqrt(deg), 0.0)
    norm = deg_inv_sqrt[src_f] * edge_weight * deg_inv_sqrt[dst_f]
    msg = norm[:, None] * h[src_f]
    out = jax.ops.segment_sum(msg, dst_f, num_segments=n)
    return out + b


def setup_inputs(seed: int = 0) -> dict:
    key = jax.random.key(seed)
    ks = jax.random.split(key, 6)
    x = jax.random.normal(ks[0], (N, D_IN), dtype=jnp.float32)
    edge_index = jax.random.randint(ks[1], (2, E), 0, N)
    W1 = jax.random.normal(ks[2], (D_IN, D_HID), dtype=jnp.float32) * (1.0 / np.sqrt(D_IN))
    b1 = jnp.zeros((D_HID,), dtype=jnp.float32)
    W2 = jax.random.normal(ks[3], (D_HID, D_LAT), dtype=jnp.float32) * (1.0 / np.sqrt(D_HID))
    b2 = jnp.zeros((D_LAT,), dtype=jnp.float32)
    return {"x": x, "edge_index": edge_index, "W1": W1, "b1": b1, "W2": W2, "b2": b2}


def reference(x, edge_index, W1, b1, W2, b2):
    src = edge_index[0]
    dst = edge_index[1]
    h = gcn_conv(x, src, dst, W1, b1, N)
    h = jax.nn.relu(h)
    out = gcn_conv(h, src, dst, W2, b2, N)
    return out

if __name__ == "__main__":
    import jax
    _d = setup_inputs()
    print(jax.jit(kernel)(*tuple(_d.values())))

</pallas_src>

<mosaic_0001>
#map = affine_map<(d0, d1) -> (0)>
#map1 = affine_map<(d0, d1) -> (0, 0, 0)>
module attributes {stable_mosaic.version = 14 : i64} {
  func.func @_deg_kernel(%arg0: i32, %arg1: i32, %arg2: memref<323584xi32, #tpu.memory_space<hbm>>, %arg3: memref<2x10240x16xf32, #tpu.memory_space<hbm>>, %arg4: memref<128xi32, #tpu.memory_space<vmem>>, %arg5: memref<128x16xf32, #tpu.memory_space<vmem>>, %arg6: memref<64x16xf32, #tpu.memory_space<vmem>>, %arg7: memref<10240x16xf32, #tpu.memory_space<vmem_shared>>) attributes {dimension_semantics = [#tpu.dimension_semantics<core_parallel>, #tpu.dimension_semantics<subcore_parallel>], iteration_bounds = array<i64: 2, 16>, scalar_prefetch = 0 : i64, scratch_operands = 4 : i64, tpu.core_type = #tpu.core_type<sc_vector_subcore>, window_params = [{transform_indices = #map}, {transform_indices = #map1}]} {
    %mul3A = arith.constant 2 : i32
    %mul3A_0 = arith.muli %arg1, %mul3A : i32
    %add3A = arith.addi %mul3A_0, %arg0 : i32
    %broadcast_in_dim3A = arith.constant 0.000000e+00 : f32
    %broadcast_in_dim3A_1 = vector.broadcast %broadcast_in_dim3A : f32 to vector<16xf32>
    %broadcast_in_dim3A_2 = arith.constant 1.000000e+00 : f32
    %broadcast_in_dim3A_3 = vector.broadcast %broadcast_in_dim3A_2 : f32 to vector<16xf32>
    %scan3A = arith.constant 0 : i32
    %scan3A_4 = arith.constant 0 : i32
    %scan3A_5 = arith.constant 128 : i32
    %scan3A_6 = arith.addi %scan3A_4, %scan3A_5 : i32
    %scan3A_7 = arith.constant 1 : i32
    %scan3A_8 = scf.for %scan3A_62 = %scan3A_4 to %scan3A_6 step %scan3A_7 iter_args(%scan3A_63 = %scan3A) -> (i32)  : i32 {
      %jit3A = arith.constant 64 : i32
      %eq3A = arith.constant 0 : i32
      %eq3A_64 = arith.cmpi eq, %jit3A, %eq3A : i32
      %jit3A_65 = arith.constant 1 : i32
      %select_n3A = arith.select %eq3A_64, %jit3A_65, %jit3A : i32
      %rem3A = arith.remsi %scan3A_62, %select_n3A : i32
      %ne3A = arith.constant 0 : i32
      %ne3A_66 = arith.cmpi ne, %rem3A, %ne3A : i32
      %lt3A = arith.constant 0 : i32
      %lt3A_67 = arith.cmpi slt, %rem3A, %lt3A : i32
      %lt3A_68 = arith.constant 0 : i32
      %lt3A_69 = arith.cmpi slt, %select_n3A, %lt3A_68 : i32
      %ne3A_70 = arith.xori %lt3A_67, %lt3A_69 : i1
      %and3A = arith.andi %ne3A_70, %ne3A_66 : i1
      %add3A_71 = arith.addi %rem3A, %select_n3A : i32
      %select_n3A_72 = arith.select %and3A, %add3A_71, %rem3A : i32
      %swap3A = arith.index_cast %select_n3A_72 : i32 to index
      %swap3A_73 = arith.constant 0 : index
      %swap3A_74 = tpu.vector_load %arg6[%swap3A, %swap3A_73] {strides = array<i32>} : memref<64x16xf32, #tpu.memory_space<vmem>>, vector<1x16xf32>,
      %swap3A_75 = vector.shape_cast %swap3A_74 : vector<1x16xf32> to vector<16xf32>
      %swap3A_76 = vector.shape_cast %broadcast_in_dim3A_1 : vector<16xf32> to vector<1x16xf32>
      tpu.vector_store %arg6[%swap3A, %swap3A_73], %swap3A_76 {strides = array<i32>} : memref<64x16xf32, #tpu.memory_space<vmem>>, vector<1x16xf32>,
      %swap3A_77 = arith.index_cast %scan3A_62 : i32 to index
      %swap3A_78 = arith.constant 0 : index
      %swap3A_79 = tpu.vector_load %arg5[%swap3A_77, %swap3A_78] {strides = array<i32>} : memref<128x16xf32, #tpu.memory_space<vmem>>, vector<1x16xf32>,
      %swap3A_80 = vector.shape_cast %swap3A_79 : vector<1x16xf32> to vector<16xf32>
      %swap3A_81 = vector.shape_cast %broadcast_in_dim3A_3 : vector<16xf32> to vector<1x16xf32>
      tpu.vector_store %arg5[%swap3A_77, %swap3A_78], %swap3A_81 {strides = array<i32>} : memref<128x16xf32, #tpu.memory_space<vmem>>, vector<1x16xf32>,
      %scan3A_82 = arith.constant 0 : i32
      scf.yield %scan3A_82 : i32
    }
    %scan3A_9 = arith.constant 128 : i32
    %mul3A_10 = arith.constant 640 : i32
    %mul3A_11 = arith.muli %arg1, %mul3A_10 : i32
    %add3A_12 = arith.constant 0 : i32
    %add3A_13 = arith.addi %mul3A_11, %add3A_12 : i32
    "tpu.region"() ({
      %run_scoped3A = tpu.sem_alloc : memref<!tpu.dma_semaphore, #tpu.memory_space<semaphore_mem>>
      %dma_start3A = arith.constant 0 : i32
      %dma_start3A_62 = tpu.memref_slice %arg7[%add3A_13, %dma_start3A] : memref<10240x16xf32, #tpu.memory_space<vmem_shared>> -> memref<64x16xf32, #tpu.memory_space<vmem_shared>>
      %dma_start3A_63 = arith.constant 0 : i32
      %dma_start3A_64 = tpu.memref_slice %arg7[%add3A_13, %dma_start3A_63] : memref<10240x16xf32, #tpu.memory_space<vmem_shared>> -> memref<64x16xf32, #tpu.memory_space<vmem_shared>>
      tpu.enqueue_dma source(%arg6 : memref<64x16xf32, #tpu.memory_space<vmem>>) target(%dma_start3A_64 : memref<64x16xf32, #tpu.memory_space<vmem_shared>>) target_semaphore(%run_scoped3A : memref<!tpu.dma_semaphore, #tpu.memory_space<semaphore_mem>>)
      %dma_wait3A = arith.constant 0 : i32
      %dma_wait3A_65 = tpu.memref_slice %arg7[%add3A_13, %dma_wait3A] : memref<10240x16xf32, #tpu.memory_space<vmem_shared>> -> memref<64x16xf32, #tpu.memory_space<vmem_shared>>
      %dma_wait3A_66 = arith.constant 0 : i32
      %dma_wait3A_67 = tpu.memref_slice %arg7[%add3A_13, %dma_wait3A_66] : memref<10240x16xf32, #tpu.memory_space<vmem_shared>> -> memref<64x16xf32, #tpu.memory_space<vmem_shared>>
      tpu.wait_dma2 semaphore(%run_scoped3A : memref<!tpu.dma_semaphore, #tpu.memory_space<semaphore_mem>>) src(%arg6 : memref<64x16xf32, #tpu.memory_space<vmem>>) dst(%dma_wait3A_67 : memref<64x16xf32, #tpu.memory_space<vmem_shared>>)
      tpu.yield
    }) : () -> ()
    %mul3A_14 = arith.constant 640 : i32
    %mul3A_15 = arith.muli %arg1, %mul3A_14 : i32
    %add3A_16 = arith.constant 64 : i32
    %add3A_17 = arith.addi %mul3A_15, %add3A_16 : i32
    "tpu.region"() ({
      %run_scoped3A = tpu.sem_alloc : memref<!tpu.dma_semaphore, #tpu.memory_space<semaphore_mem>>
      %dma_start3A = arith.constant 0 : i32
      %dma_start3A_62 = tpu.memref_slice %arg7[%add3A_17, %dma_start3A] : memref<10240x16xf32, #tpu.memory_space<vmem_shared>> -> memref<64x16xf32, #tpu.memory_space<vmem_shared>>
      %dma_start3A_63 = arith.constant 0 : i32
      %dma_start3A_64 = tpu.memref_slice %arg7[%add3A_17, %dma_start3A_63] : memref<10240x16xf32, #tpu.memory_space<vmem_shared>> -> memref<64x16xf32, #tpu.memory_space<vmem_shared>>
      tpu.enqueue_dma source(%arg6 : memref<64x16xf32, #tpu.memory_space<vmem>>) target(%dma_start3A_64 : memref<64x16xf32, #tpu.memory_space<vmem_shared>>) target_semaphore(%run_scoped3A : memref<!tpu.dma_semaphore, #tpu.memory_space<semaphore_mem>>)
      %dma_wait3A = arith.constant 0 : i32
      %dma_wait3A_65 = tpu.memref_slice %arg7[%add3A_17, %dma_wait3A] : memref<10240x16xf32, #tpu.memory_space<vmem_shared>> -> memref<64x16xf32, #tpu.memory_space<vmem_shared>>
      %dma_wait3A_66 = arith.constant 0 : i32
      %dma_wait3A_67 = tpu.memref_slice %arg7[%add3A_17, %dma_wait3A_66] : memref<10240x16xf32, #tpu.memory_space<vmem_shared>> -> memref<64x16xf32, #tpu.memory_space<vmem_shared>>
      tpu.wait_dma2 semaphore(%run_scoped3A : memref<!tpu.dma_semaphore, #tpu.memory_space<semaphore_mem>>) src(%arg6 : memref<64x16xf32, #tpu.memory_space<vmem>>) dst(%dma_wait3A_67 : memref<64x16xf32, #tpu.memory_space<vmem_shared>>)
      tpu.yield
    }) : () -> ()
    %mul3A_18 = arith.constant 640 : i32
    %mul3A_19 = arith.muli %arg1, %mul3A_18 : i32
    %add3A_20 = arith.constant 128 : i32
    %add3A_21 = arith.addi %mul3A_19, %add3A_20 : i32
    "tpu.region"() ({
      %run_scoped3A = tpu.sem_alloc : memref<!tpu.dma_semaphore, #tpu.memory_space<semaphore_mem>>
      %dma_start3A = arith.constant 0 : i32
      %dma_start3A_62 = tpu.memref_slice %arg7[%add3A_21, %dma_start3A] : memref<10240x16xf32, #tpu.memory_space<vmem_shared>> -> memref<64x16xf32, #tpu.memory_space<vmem_shared>>
      %dma_start3A_63 = arith.constant 0 : i32
      %dma_start3A_64 = tpu.memref_slice %arg7[%add3A_21, %dma_start3A_63] : memref<10240x16xf32, #tpu.memory_space<vmem_shared>> -> memref<64x16xf32, #tpu.memory_space<vmem_shared>>
      tpu.enqueue_dma source(%arg6 : memref<64x16xf32, #tpu.memory_space<vmem>>) target(%dma_start3A_64 : memref<64x16xf32, #tpu.memory_space<vmem_shared>>) target_semaphore(%run_scoped3A : memref<!tpu.dma_semaphore, #tpu.memory_space<semaphore_mem>>)
      %dma_wait3A = arith.constant 0 : i32
      %dma_wait3A_65 = tpu.memref_slice %arg7[%add3A_21, %dma_wait3A] : memref<10240x16xf32, #tpu.memory_space<vmem_shared>> -> memref<64x16xf32, #tpu.memory_space<vmem_shared>>
      %dma_wait3A_66 = arith.constant 0 : i32
      %dma_wait3A_67 = tpu.memref_slice %arg7[%add3A_21, %dma_wait3A_66] : memref<10240x16xf32, #tpu.memory_space<vmem_shared>> -> memref<64x16xf32, #tpu.memory_space<vmem_shared>>
      tpu.wait_dma2 semaphore(%run_scoped3A : memref<!tpu.dma_semaphore, #tpu.memory_space<semaphore_mem>>) src(%arg6 : memref<64x16xf32, #tpu.memory_space<vmem>>) dst(%dma_wait3A_67 : memref<64x16xf32, #tpu.memory_space<vmem_shared>>)
      tpu.yield
    }) : () -> ()
    %mul3A_22 = arith.constant 640 : i32
    %mul3A_23 = arith.muli %arg1, %mul3A_22 : i32
    %add3A_24 = arith.constant 192 : i32
    %add3A_25 = arith.addi %mul3A_23, %add3A_24 : i32
    "tpu.region"() ({
      %run_scoped3A = tpu.sem_alloc : memref<!tpu.dma_semaphore, #tpu.memory_space<semaphore_mem>>
      %dma_start3A = arith.constant 0 : i32
      %dma_start3A_62 = tpu.memref_slice %arg7[%add3A_25, %dma_start3A] : memref<10240x16xf32, #tpu.memory_space<vmem_shared>> -> memref<64x16xf32, #tpu.memory_space<vmem_shared>>
      %dma_start3A_63 = arith.constant 0 : i32
      %dma_start3A_64 = tpu.memref_slice %arg7[%add3A_25, %dma_start3A_63] : memref<10240x16xf32, #tpu.memory_space<vmem_shared>> -> memref<64x16xf32, #tpu.memory_space<vmem_shared>>
      tpu.enqueue_dma source(%arg6 : memref<64x16xf32, #tpu.memory_space<vmem>>) target(%dma_start3A_64 : memref<64x16xf32, #tpu.memory_space<vmem_shared>>) target_semaphore(%run_scoped3A : memref<!tpu.dma_semaphore, #tpu.memory_space<semaphore_mem>>)
      %dma_wait3A = arith.constant 0 : i32
      %dma_wait3A_65 = tpu.memref_slice %arg7[%add3A_25, %dma_wait3A] : memref<10240x16xf32, #tpu.memory_space<vmem_shared>> -> memref<64x16xf32, #tpu.memory_space<vmem_shared>>
      %dma_wait3A_66 = arith.constant 0 : i32
      %dma_wait3A_67 = tpu.memref_slice %arg7[%add3A_25, %dma_wait3A_66] : memref<10240x16xf32, #tpu.memory_space<vmem_shared>> -> memref<64x16xf32, #tpu.memory_space<vmem_shared>>
      tpu.wait_dma2 semaphore(%run_scoped3A : memref<!tpu.dma_semaphore, #tpu.memory_space<semaphore_mem>>) src(%arg6 : memref<64x16xf32, #tpu.memory_space<vmem>>) dst(%dma_wait3A_67 : memref<64x16xf32, #tpu.memory_space<vmem_shared>>)
      tpu.yield
    }) : () -> ()
    %mul3A_26 = arith.constant 640 : i32
    %mul3A_27 = arith.muli %arg1, %mul3A_26 : i32
    %add3A_28 = arith.constant 256 : i32
    %add3A_29 = arith.addi %mul3A_27, %add3A_28 : i32
    "tpu.region"() ({
      %run_scoped3A = tpu.sem_alloc : memref<!tpu.dma_semaphore, #tpu.memory_space<semaphore_mem>>
      %dma_start3A = arith.constant 0 : i32
      %dma_start3A_62 = tpu.memref_slice %arg7[%add3A_29, %dma_start3A] : memref<10240x16xf32, #tpu.memory_space<vmem_shared>> -> memref<64x16xf32, #tpu.memory_space<vmem_shared>>
      %dma_start3A_63 = arith.constant 0 : i32
      %dma_start3A_64 = tpu.memref_slice %arg7[%add3A_29, %dma_start3A_63] : memref<10240x16xf32, #tpu.memory_space<vmem_shared>> -> memref<64x16xf32, #tpu.memory_space<vmem_shared>>
      tpu.enqueue_dma source(%arg6 : memref<64x16xf32, #tpu.memory_space<vmem>>) target(%dma_start3A_64 : memref<64x16xf32, #tpu.memory_space<vmem_shared>>) target_semaphore(%run_scoped3A : memref<!tpu.dma_semaphore, #tpu.memory_space<semaphore_mem>>)
      %dma_wait3A = arith.constant 0 : i32
      %dma_wait3A_65 = tpu.memref_slice %arg7[%add3A_29, %dma_wait3A] : memref<10240x16xf32, #tpu.memory_space<vmem_shared>> -> memref<64x16xf32, #tpu.memory_space<vmem_shared>>
      %dma_wait3A_66 = arith.constant 0 : i32
      %dma_wait3A_67 = tpu.memref_slice %arg7[%add3A_29, %dma_wait3A_66] : memref<10240x16xf32, #tpu.memory_space<vmem_shared>> -> memref<64x16xf32, #tpu.memory_space<vmem_shared>>
      tpu.wait_dma2 semaphore(%run_scoped3A : memref<!tpu.dma_semaphore, #tpu.memory_space<semaphore_mem>>) src(%arg6 : memref<64x16xf32, #tpu.memory_space<vmem>>) dst(%dma_wait3A_67 : memref<64x16xf32, #tpu.memory_space<vmem_shared>>)
      tpu.yield
    }) : () -> ()
    %mul3A_30 = arith.constant 640 : i32
    %mul3A_31 = arith.muli %arg1, %mul3A_30 : i32
    %add3A_32 = arith.constant 320 : i32
    %add3A_33 = arith.addi %mul3A_31, %add3A_32 : i32
    "tpu.region"() ({
      %run_scoped3A = tpu.sem_alloc : memref<!tpu.dma_semaphore, #tpu.memory_space<semaphore_mem>>
      %dma_start3A = arith.constant 0 : i32
      %dma_start3A_62 = tpu.memref_slice %arg7[%add3A_33, %dma_start3A] : memref<10240x16xf32, #tpu.memory_space<vmem_shared>> -> memref<64x16xf32, #tpu.memory_space<vmem_shared>>
      %dma_start3A_63 = arith.constant 0 : i32
      %dma_start3A_64 = tpu.memref_slice %arg7[%add3A_33, %dma_start3A_63] : memref<10240x16xf32, #tpu.memory_space<vmem_shared>> -> memref<64x16xf32, #tpu.memory_space<vmem_shared>>
      tpu.enqueue_dma source(%arg6 : memref<64x16xf32, #tpu.memory_space<vmem>>) target(%dma_start3A_64 : memref<64x16xf32, #tpu.memory_space<vmem_shared>>) target_semaphore(%run_scoped3A : memref<!tpu.dma_semaphore, #tpu.memory_space<semaphore_mem>>)
      %dma_wait3A = arith.constant 0 : i32
      %dma_wait3A_65 = tpu.memref_slice %arg7[%add3A_33, %dma_wait3A] : memref<10240x16xf32, #tpu.memory_space<vmem_shared>> -> memref<64x16xf32, #tpu.memory_space<vmem_shared>>
      %dma_wait3A_66 = arith.constant 0 : i32
      %dma_wait3A_67 = tpu.memref_slice %arg7[%add3A_33, %dma_wait3A_66] : memref<10240x16xf32, #tpu.memory_space<vmem_shared>> -> memref<64x16xf32, #tpu.memory_space<vmem_shared>>
      tpu.wait_dma2 semaphore(%run_scoped3A : memref<!tpu.dma_semaphore, #tpu.memory_space<semaphore_mem>>) src(%arg6 : memref<64x16xf32, #tpu.memory_space<vmem>>) dst(%dma_wait3A_67 : memref<64x16xf32, #tpu.memory_space<vmem_shared>>)
      tpu.yield
    }) : () -> ()
    %mul3A_34 = arith.constant 640 : i32
    %mul3A_35 = arith.muli %arg1, %mul3A_34 : i32
    %add3A_36 = arith.constant 384 : i32
    %add3A_37 = arith.addi %mul3A_35, %add3A_36 : i32
    "tpu.region"() ({
      %run_scoped3A = tpu.sem_alloc : memref<!tpu.dma_semaphore, #tpu.memory_space<semaphore_mem>>
      %dma_start3A = arith.constant 0 : i32
      %dma_start3A_62 = tpu.memref_slice %arg7[%add3A_37, %dma_start3A] : memref<10240x16xf32, #tpu.memory_space<vmem_shared>> -> memref<64x16xf32, #tpu.memory_space<vmem_shared>>
      %dma_start3A_63 = arith.constant 0 : i32
      %dma_start3A_64 = tpu.memref_slice %arg7[%add3A_37, %dma_start3A_63] : memref<10240x16xf32, #tpu.memory_space<vmem_shared>> -> memref<64x16xf32, #tpu.memory_space<vmem_shared>>
      tpu.enqueue_dma source(%arg6 : memref<64x16xf32, #tpu.memory_space<vmem>>) target(%dma_start3A_64 : memref<64x16xf32, #tpu.memory_space<vmem_shared>>) target_semaphore(%run_scoped3A : memref<!tpu.dma_semaphore, #tpu.memory_space<semaphore_mem>>)
      %dma_wait3A = arith.constant 0 : i32
      %dma_wait3A_65 = tpu.memref_slice %arg7[%add3A_37, %dma_wait3A] : memref<10240x16xf32, #tpu.memory_space<vmem_shared>> -> memref<64x16xf32, #tpu.memory_space<vmem_shared>>
      %dma_wait3A_66 = arith.constant 0 : i32
      %dma_wait3A_67 = tpu.memref_slice %arg7[%add3A_37, %dma_wait3A_66] : memref<10240x16xf32, #tpu.memory_space<vmem_shared>> -> memref<64x16xf32, #tpu.memory_space<vmem_shared>>
      tpu.wait_dma2 semaphore(%run_scoped3A : memref<!tpu.dma_semaphore, #tpu.memory_space<semaphore_mem>>) src(%arg6 : memref<64x16xf32, #tpu.memory_space<vmem>>) dst(%dma_wait3A_67 : memref<64x16xf32, #tpu.memory_space<vmem_shared>>)
      tpu.yield
    }) : () -> ()
    %mul3A_38 = arith.constant 640 : i32
    %mul3A_39 = arith.muli %arg1, %mul3A_38 : i32
    %add3A_40 = arith.constant 448 : i32
    %add3A_41 = arith.addi %mul3A_39, %add3A_40 : i32
    "tpu.region"() ({
      %run_scoped3A = tpu.sem_alloc : memref<!tpu.dma_semaphore, #tpu.memory_space<semaphore_mem>>
      %dma_start3A = arith.constant 0 : i32
      %dma_start3A_62 = tpu.memref_slice %arg7[%add3A_41, %dma_start3A] : memref<10240x16xf32, #tpu.memory_space<vmem_shared>> -> memref<64x16xf32, #tpu.memory_space<vmem_shared>>
      %dma_start3A_63 = arith.constant 0 : i32
      %dma_start3A_64 = tpu.memref_slice %arg7[%add3A_41, %dma_start3A_63] : memref<10240x16xf32, #tpu.memory_space<vmem_shared>> -> memref<64x16xf32, #tpu.memory_space<vmem_shared>>
      tpu.enqueue_dma source(%arg6 : memref<64x16xf32, #tpu.memory_space<vmem>>) target(%dma_start3A_64 : memref<64x16xf32, #tpu.memory_space<vmem_shared>>) target_semaphore(%run_scoped3A : memref<!tpu.dma_semaphore, #tpu.memory_space<semaphore_mem>>)
      %dma_wait3A = arith.constant 0 : i32
      %dma_wait3A_65 = tpu.memref_slice %arg7[%add3A_41, %dma_wait3A] : memref<10240x16xf32, #tpu.memory_space<vmem_shared>> -> memref<64x16xf32, #tpu.memory_space<vmem_shared>>
      %dma_wait3A_66 = arith.constant 0 : i32
      %dma_wait3A_67 = tpu.memref_slice %arg7[%add3A_41, %dma_wait3A_66] : memref<10240x16xf32, #tpu.memory_space<vmem_shared>> -> memref<64x16xf32, #tpu.memory_space<vmem_shared>>
      tpu.wait_dma2 semaphore(%run_scoped3A : memref<!tpu.dma_semaphore, #tpu.memory_space<semaphore_mem>>) src(%arg6 : memref<64x16xf32, #tpu.memory_space<vmem>>) dst(%dma_wait3A_67 : memref<64x16xf32, #tpu.memory_space<vmem_shared>>)
      tpu.yield
    }) : () -> ()
    %mul3A_42 = arith.constant 640 : i32
    %mul3A_43 = arith.muli %arg1, %mul3A_42 : i32
    %add3A_44 = arith.constant 512 : i32
    %add3A_45 = arith.addi %mul3A_43, %add3A_44 : i32
    "tpu.region"() ({
      %run_scoped3A = tpu.sem_alloc : memref<!tpu.dma_semaphore, #tpu.memory_space<semaphore_mem>>
      %dma_start3A = arith.constant 0 : i32
      %dma_start3A_62 = tpu.memref_slice %arg7[%add3A_45, %dma_start3A] : memref<10240x16xf32, #tpu.memory_space<vmem_shared>> -> memref<64x16xf32, #tpu.memory_space<vmem_shared>>
      %dma_start3A_63 = arith.constant 0 : i32
      %dma_start3A_64 = tpu.memref_slice %arg7[%add3A_45, %dma_start3A_63] : memref<10240x16xf32, #tpu.memory_space<vmem_shared>> -> memref<64x16xf32, #tpu.memory_space<vmem_shared>>
      tpu.enqueue_dma source(%arg6 : memref<64x16xf32, #tpu.memory_space<vmem>>) target(%dma_start3A_64 : memref<64x16xf32, #tpu.memory_space<vmem_shared>>) target_semaphore(%run_scoped3A : memref<!tpu.dma_semaphore, #tpu.memory_space<semaphore_mem>>)
      %dma_wait3A = arith.constant 0 : i32
      %dma_wait3A_65 = tpu.memref_slice %arg7[%add3A_45, %dma_wait3A] : memref<10240x16xf32, #tpu.memory_space<vmem_shared>> -> memref<64x16xf32, #tpu.memory_space<vmem_shared>>
      %dma_wait3A_66 = arith.constant 0 : i32
      %dma_wait3A_67 = tpu.memref_slice %arg7[%add3A_45, %dma_wait3A_66] : memref<10240x16xf32, #tpu.memory_space<vmem_shared>> -> memref<64x16xf32, #tpu.memory_space<vmem_shared>>
      tpu.wait_dma2 semaphore(%run_scoped3A : memref<!tpu.dma_semaphore, #tpu.memory_space<semaphore_mem>>) src(%arg6 : memref<64x16xf32, #tpu.memory_space<vmem>>) dst(%dma_wait3A_67 : memref<64x16xf32, #tpu.memory_space<vmem_shared>>)
      tpu.yield
    }) : () -> ()
    %mul3A_46 = arith.constant 640 : i32
    %mul3A_47 = arith.muli %arg1, %mul3A_46 : i32
    %add3A_48 = arith.constant 576 : i32
    %add3A_49 = arith.addi %mul3A_47, %add3A_48 : i32
    "tpu.region"() ({
      %run_scoped3A = tpu.sem_alloc : memref<!tpu.dma_semaphore, #tpu.memory_space<semaphore_mem>>
      %dma_start3A = arith.constant 0 : i32
      %dma_start3A_62 = tpu.memref_slice %arg7[%add3A_49, %dma_start3A] : memref<10240x16xf32, #tpu.memory_space<vmem_shared>> -> memref<64x16xf32, #tpu.memory_space<vmem_shared>>
      %dma_start3A_63 = arith.constant 0 : i32
      %dma_start3A_64 = tpu.memref_slice %arg7[%add3A_49, %dma_start3A_63] : memref<10240x16xf32, #tpu.memory_space<vmem_shared>> -> memref<64x16xf32, #tpu.memory_space<vmem_shared>>
      tpu.enqueue_dma source(%arg6 : memref<64x16xf32, #tpu.memory_space<vmem>>) target(%dma_start3A_64 : memref<64x16xf32, #tpu.memory_space<vmem_shared>>) target_semaphore(%run_scoped3A : memref<!tpu.dma_semaphore, #tpu.memory_space<semaphore_mem>>)
      %dma_wait3A = arith.constant 0 : i32
      %dma_wait3A_65 = tpu.memref_slice %arg7[%add3A_49, %dma_wait3A] : memref<10240x16xf32, #tpu.memory_space<vmem_shared>> -> memref<64x16xf32, #tpu.memory_space<vmem_shared>>
      %dma_wait3A_66 = arith.constant 0 : i32
      %dma_wait3A_67 = tpu.memref_slice %arg7[%add3A_49, %dma_wait3A_66] : memref<10240x16xf32, #tpu.memory_space<vmem_shared>> -> memref<64x16xf32, #tpu.memory_space<vmem_shared>>
      tpu.wait_dma2 semaphore(%run_scoped3A : memref<!tpu.dma_semaphore, #tpu.memory_space<semaphore_mem>>) src(%arg6 : memref<64x16xf32, #tpu.memory_space<vmem>>) dst(%dma_wait3A_67 : memref<64x16xf32, #tpu.memory_space<vmem_shared>>)
      tpu.yield
    }) : () -> ()
    %barrier3A = arith.constant 0 : index
    tpu.barrier barrier_id(%barrier3A)
    %scan3A_50 = arith.constant 0 : i32
    %scan3A_51 = arith.constant 0 : i32
    %scan3A_52 = arith.constant 79 : i32
    %scan3A_53 = arith.addi %scan3A_51, %scan3A_52 : i32
    %scan3A_54 = arith.constant 1 : i32
    %scan3A_55 = scf.for %scan3A_62 = %scan3A_51 to %scan3A_53 step %scan3A_54 iter_args(%scan3A_63 = %scan3A_50) -> (i32)  : i32 {
      %mul3A_64 = arith.constant 79 : i32
      %mul3A_65 = arith.muli %add3A, %mul3A_64 : i32
      %add3A_66 = arith.addi %mul3A_65, %scan3A_62 : i32
      %mul3A_67 = arith.constant 128 : i32
      %mul3A_68 = arith.muli %add3A_66, %mul3A_67 : i32
      "tpu.region"() ({
        %run_scoped3A = tpu.sem_alloc : memref<!tpu.dma_semaphore, #tpu.memory_space<semaphore_mem>>
        %dma_start3A = tpu.memref_slice %arg2[%mul3A_68] : memref<323584xi32, #tpu.memory_space<hbm>> -> memref<128xi32, #tpu.memory_space<hbm>>
        %dma_start3A_70 = tpu.memref_slice %arg2[%mul3A_68] : memref<323584xi32, #tpu.memory_space<hbm>> -> memref<128xi32, #tpu.memory_space<hbm>>
        tpu.enqueue_dma source(%dma_start3A_70 : memref<128xi32, #tpu.memory_space<hbm>>) target(%arg4 : memref<128xi32, #tpu.memory_space<vmem>>) target_semaphore(%run_scoped3A : memref<!tpu.dma_semaphore, #tpu.memory_space<semaphore_mem>>)
        %dma_wait3A = tpu.memref_slice %arg2[%mul3A_68] : memref<323584xi32, #tpu.memory_space<hbm>> -> memref<128xi32, #tpu.memory_space<hbm>>
        %dma_wait3A_71 = tpu.memref_slice %arg2[%mul3A_68] : memref<323584xi32, #tpu.memory_space<hbm>> -> memref<128xi32, #tpu.memory_space<hbm>>
        tpu.wait_dma2 semaphore(%run_scoped3A : memref<!tpu.dma_semaphore, #tpu.memory_space<semaphore_mem>>) src(%dma_wait3A_71 : memref<128xi32, #tpu.memory_space<hbm>>) dst(%arg4 : memref<128xi32, #tpu.memory_space<vmem>>)
        tpu.yield
      }) : () -> ()
      "tpu.region"() ({
        %run_scoped3A = tpu.sem_alloc : memref<!tpu.dma_semaphore, #tpu.memory_space<semaphore_mem>>
        %dma_start3A = arith.constant 0 : i32
        %dma_start3A_70 = arith.constant 0 : i32
        %dma_start3A_71 = tpu.memref_slice %arg7[%dma_start3A, %dma_start3A_70] : memref<10240x16xf32, #tpu.memory_space<vmem_shared>> -> memref<10240x16xf32, #tpu.memory_space<vmem_shared>>
        tpu.enqueue_indirect_dma source(%arg5 : memref<128x16xf32, #tpu.memory_space<vmem>>) target(%dma_start3A_71 : memref<10240x16xf32, #tpu.memory_space<vmem_shared>>) offsets(%arg4 : memref<128xi32, #tpu.memory_space<vmem>>) semaphore(%run_scoped3A : memref<!tpu.dma_semaphore, #tpu.memory_space<semaphore_mem>>) {add = true}
        %dma_wait3A = arith.constant 0 : i32
        %dma_wait3A_72 = arith.constant 0 : i32
        %dma_wait3A_73 = tpu.memref_slice %arg7[%dma_wait3A, %dma_wait3A_72] : memref<10240x16xf32, #tpu.memory_space<vmem_shared>> -> memref<10240x16xf32, #tpu.memory_space<vmem_shared>>
        tpu.wait_indirect_dma semaphore(%run_scoped3A : memref<!tpu.dma_semaphore, #tpu.memory_space<semaphore_mem>>) src(%arg5 : memref<128x16xf32, #tpu.memory_space<vmem>>) dst(%dma_wait3A_73 : memref<10240x16xf32, #tpu.memory_space<vmem_shared>>)
        tpu.yield
      }) : () -> ()
      %scan3A_69 = arith.constant 0 : i32
      scf.yield %scan3A_69 : i32
    }
    %scan3A_56 = arith.constant 79 : i32
    %barrier3A_57 = arith.constant 0 : index
    tpu.barrier barrier_id(%barrier3A_57)
    %mul3A_58 = arith.constant 640 : i32
    %mul3A_59 = arith.muli %arg1, %mul3A_58 : i32
    %mul3A_60 = arith.constant 640 : i32
    %mul3A_61 = arith.muli %arg1, %mul3A_60 : i32
    "tpu.region"() ({
      %run_scoped3A = tpu.sem_alloc : memref<!tpu.dma_semaphore, #tpu.memory_space<semaphore_mem>>
      %dma_start3A = arith.constant 0 : i32
      %dma_start3A_62 = tpu.memref_slice %arg3[%arg0, %mul3A_61, %dma_start3A] : memref<2x10240x16xf32, #tpu.memory_space<hbm>> -> memref<1x640x16xf32, #tpu.memory_space<hbm>>
      %dma_start3A_63 = tpu.memref_squeeze %dma_start3A_62 : memref<1x640x16xf32, #tpu.memory_space<hbm>> -> memref<640x16xf32, #tpu.memory_space<hbm>>
      %dma_start3A_64 = arith.constant 0 : i32
      %dma_start3A_65 = tpu.memref_slice %arg7[%mul3A_59, %dma_start3A_64] : memref<10240x16xf32, #tpu.memory_space<vmem_shared>> -> memref<640x16xf32, #tpu.memory_space<vmem_shared>>
      tpu.enqueue_dma source(%dma_start3A_65 : memref<640x16xf32, #tpu.memory_space<vmem_shared>>) target(%dma_start3A_63 : memref<640x16xf32, #tpu.memory_space<hbm>>) target_semaphore(%run_scoped3A : memref<!tpu.dma_semaphore, #tpu.memory_space<semaphore_mem>>)
      %dma_wait3A = arith.constant 0 : i32
      %dma_wait3A_66 = tpu.memref_slice %arg3[%arg0, %mul3A_61, %dma_wait3A] : memref<2x10240x16xf32, #tpu.memory_space<hbm>> -> memref<1x640x16xf32, #tpu.memory_space<hbm>>
      %dma_wait3A_67 = tpu.memref_squeeze %dma_wait3A_66 : memref<1x640x16xf32, #tpu.memory_space<hbm>> -> memref<640x16xf32, #tpu.memory_space<hbm>>
      %dma_wait3A_68 = arith.constant 0 : i32
      %dma_wait3A_69 = tpu.memref_slice %arg7[%mul3A_59, %dma_wait3A_68] : memref<10240x16xf32, #tpu.memory_space<vmem_shared>> -> memref<640x16xf32, #tpu.memory_space<vmem_shared>>
      tpu.wait_dma2 semaphore(%run_scoped3A : memref<!tpu.dma_semaphore, #tpu.memory_space<semaphore_mem>>) src(%dma_wait3A_69 : memref<640x16xf32, #tpu.memory_space<vmem_shared>>) dst(%dma_wait3A_67 : memref<640x16xf32, #tpu.memory_space<hbm>>)
      tpu.yield
    }) : () -> ()
    return
  }
}

#map = affine_map<(d0, d1) -> (0, 0)>
#map1 = affine_map<(d0, d1) -> (0)>
#map2 = affine_map<(d0, d1) -> (0, 0, 0)>
module attributes {stable_mosaic.version = 14 : i64} {
  func.func @_agg_kernel(%arg0: i32, %arg1: i32, %arg2: memref<10240x128xf32, #tpu.memory_space<hbm>>, %arg3: memref<323584xi32, #tpu.memory_space<hbm>>, %arg4: memref<323584xi32, #tpu.memory_space<hbm>>, %arg5: memref<2x10240x128xf32, #tpu.memory_space<hbm>>, %arg6: memref<128xi32, #tpu.memory_space<vmem>>, %arg7: memref<128xi32, #tpu.memory_space<vmem>>, %arg8: memref<128x128xf32, #tpu.memory_space<vmem>>, %arg9: memref<64x128xf32, #tpu.memory_space<vmem>>, %arg10: memref<10240x128xf32, #tpu.memory_space<vmem_shared>>, %arg11: memref<!tpu.dma_semaphore, #tpu.memory_space<semaphore_mem>>) attributes {dimension_semantics = [#tpu.dimension_semantics<core_parallel>, #tpu.dimension_semantics<subcore_parallel>], iteration_bounds = array<i64: 2, 16>, scalar_prefetch = 0 : i64, scratch_operands = 6 : i64, tpu.core_type = #tpu.core_type<sc_vector_subcore>, window_params = [{transform_indices = #map}, {transform_indices = #map1}, {transform_indices = #map1}, {transform_indices = #map2}]} {
    %mul3A = arith.constant 2 : i32
    %mul3A_0 = arith.muli %arg1, %mul3A : i32
    %add3A = arith.addi %mul3A_0, %arg0 : i32
    %broadcast_in_dim3A = arith.constant 0.000000e+00 : f32
    %broadcast_in_dim3A_1 = vector.broadcast %broadcast_in_dim3A : f32 to vector<16xf32>
    %scan3A = arith.constant 0 : i32
    %scan3A_2 = arith.constant 0 : i32
    %scan3A_3 = arith.constant 512 : i32
    %scan3A_4 = arith.addi %scan3A_2, %scan3A_3 : i32
    %scan3A_5 = arith.constant 1 : i32
    %scan3A_6 = scf.for %scan3A_60 = %scan3A_2 to %scan3A_4 step %scan3A_5 iter_args(%scan3A_61 = %scan3A) -> (i32)  : i32 {
      %jit3A = arith.constant 8 : i32
      %div3A = arith.divsi %scan3A_60, %jit3A : i32
      %sign3A = arith.constant 0 : i32
      %sign3A_62 = arith.cmpi sgt, %scan3A_60, %sign3A : i32
      %sign3A_63 = arith.extui %sign3A_62 : i1 to i32
      %sign3A_64 = arith.constant 0 : i32
      %sign3A_65 = arith.cmpi slt, %scan3A_60, %sign3A_64 : i32
      %sign3A_66 = arith.extui %sign3A_65 : i1 to i32
      %sign3A_67 = arith.subi %sign3A_63, %sign3A_66 : i32
      %sign3A_68 = arith.constant 0 : i32
      %sign3A_69 = arith.cmpi sgt, %jit3A, %sign3A_68 : i32
      %sign3A_70 = arith.extui %sign3A_69 : i1 to i32
      %sign3A_71 = arith.constant 0 : i32
      %sign3A_72 = arith.cmpi slt, %jit3A, %sign3A_71 : i32
      %sign3A_73 = arith.extui %sign3A_72 : i1 to i32
      %sign3A_74 = arith.subi %sign3A_70, %sign3A_73 : i32
      %ne3A = arith.cmpi ne, %sign3A_67, %sign3A_74 : i32
      %rem3A = arith.remsi %scan3A_60, %jit3A : i32
      %ne3A_75 = arith.constant 0 : i32
      %ne3A_76 = arith.cmpi ne, %rem3A, %ne3A_75 : i32
      %and3A = arith.andi %ne3A, %ne3A_76 : i1
      %sub3A = arith.constant 1 : i32
      %sub3A_77 = arith.subi %div3A, %sub3A : i32
      %select_n3A = arith.select %and3A, %sub3A_77, %div3A : i32
      %jit3A_78 = arith.constant 8 : i32
      %eq3A = arith.constant 0 : i32
      %eq3A_79 = arith.cmpi eq, %jit3A_78, %eq3A : i32
      %jit3A_80 = arith.constant 1 : i32
      %select_n3A_81 = arith.select %eq3A_79, %jit3A_80, %jit3A_78 : i32
      %rem3A_82 = arith.remsi %scan3A_60, %select_n3A_81 : i32
      %ne3A_83 = arith.constant 0 : i32
      %ne3A_84 = arith.cmpi ne, %rem3A_82, %ne3A_83 : i32
      %lt3A = arith.constant 0 : i32
      %lt3A_85 = arith.cmpi slt, %rem3A_82, %lt3A : i32
      %lt3A_86 = arith.constant 0 : i32
      %lt3A_87 = arith.cmpi slt, %select_n3A_81, %lt3A_86 : i32
      %ne3A_88 = arith.xori %lt3A_85, %lt3A_87 : i1
      %and3A_89 = arith.andi %ne3A_88, %ne3A_84 : i1
      %add3A_90 = arith.addi %rem3A_82, %select_n3A_81 : i32
      %select_n3A_91 = arith.select %and3A_89, %add3A_90, %rem3A_82 : i32
      %mul3A_92 = arith.constant 16 : i32
      %mul3A_93 = arith.muli %select_n3A_91, %mul3A_92 : i32
      %swap3A = arith.index_cast %select_n3A : i32 to index
      %swap3A_94 = arith.index_cast %mul3A_93 : i32 to index
      %swap3A_95 = tpu.vector_load %arg9[%swap3A, %swap3A_94] {strides = array<i32>} : memref<64x128xf32, #tpu.memory_space<vmem>>, vector<1x16xf32>,
      %swap3A_96 = vector.shape_cast %swap3A_95 : vector<1x16xf32> to vector<16xf32>
      %swap3A_97 = vector.shape_cast %broadcast_in_dim3A_1 : vector<16xf32> to vector<1x16xf32>
      tpu.vector_store %arg9[%swap3A, %swap3A_94], %swap3A_97 {strides = array<i32>} : memref<64x128xf32, #tpu.memory_space<vmem>>, vector<1x16xf32>,
      %scan3A_98 = arith.constant 0 : i32
      scf.yield %scan3A_98 : i32
    }
    %scan3A_7 = arith.constant 512 : i32
    %mul3A_8 = arith.constant 640 : i32
    %mul3A_9 = arith.muli %arg1, %mul3A_8 : i32
    %add3A_10 = arith.constant 0 : i32
    %add3A_11 = arith.addi %mul3A_9, %add3A_10 : i32
    "tpu.region"() ({
      %run_scoped3A = tpu.sem_alloc : memref<!tpu.dma_semaphore, #tpu.memory_space<semaphore_mem>>
      %dma_start3A = arith.constant 0 : i32
      %dma_start3A_60 = tpu.memref_slice %arg10[%add3A_11, %dma_start3A] : memref<10240x128xf32, #tpu.memory_space<vmem_shared>> -> memref<64x128xf32, #tpu.memory_space<vmem_shared>>
      %dma_start3A_61 = arith.constant 0 : i32
      %dma_start3A_62 = tpu.memref_slice %arg10[%add3A_11, %dma_start3A_61] : memref<10240x128xf32, #tpu.memory_space<vmem_shared>> -> memref<64x128xf32, #tpu.memory_space<vmem_shared>>
      tpu.enqueue_dma source(%arg9 : memref<64x128xf32, #tpu.memory_space<vmem>>) target(%dma_start3A_62 : memref<64x128xf32, #tpu.memory_space<vmem_shared>>) target_semaphore(%run_scoped3A : memref<!tpu.dma_semaphore, #tpu.memory_space<semaphore_mem>>)
      %dma_wait3A = arith.constant 0 : i32
      %dma_wait3A_63 = tpu.memref_slice %arg10[%add3A_11, %dma_wait3A] : memref<10240x128xf32, #tpu.memory_space<vmem_shared>> -> memref<64x128xf32, #tpu.memory_space<vmem_shared>>
      %dma_wait3A_64 = arith.constant 0 : i32
      %dma_wait3A_65 = tpu.memref_slice %arg10[%add3A_11, %dma_wait3A_64] : memref<10240x128xf32, #tpu.memory_space<vmem_shared>> -> memref<64x128xf32, #tpu.memory_space<vmem_shared>>
      tpu.wait_dma2 semaphore(%run_scoped3A : memref<!tpu.dma_semaphore, #tpu.memory_space<semaphore_mem>>) src(%arg9 : memref<64x128xf32, #tpu.memory_space<vmem>>) dst(%dma_wait3A_65 : memref<64x128xf32, #tpu.memory_space<vmem_shared>>)
      tpu.yield
    }) : () -> ()
    %mul3A_12 = arith.constant 640 : i32
    %mul3A_13 = arith.muli %arg1, %mul3A_12 : i32
    %add3A_14 = arith.constant 64 : i32
    %add3A_15 = arith.addi %mul3A_13, %add3A_14 : i32
    "tpu.region"() ({
      %run_scoped3A = tpu.sem_alloc : memref<!tpu.dma_semaphore, #tpu.memory_space<semaphore_mem>>
      %dma_start3A = arith.constant 0 : i32
      %dma_start3A_60 = tpu.memref_slice %arg10[%add3A_15, %dma_start3A] : memref<10240x128xf32, #tpu.memory_space<vmem_shared>> -> memref<64x128xf32, #tpu.memory_space<vmem_shared>>
      %dma_start3A_61 = arith.constant 0 : i32
      %dma_start3A_62 = tpu.memref_slice %arg10[%add3A_15, %dma_start3A_61] : memref<10240x128xf32, #tpu.memory_space<vmem_shared>> -> memref<64x128xf32, #tpu.memory_space<vmem_shared>>
      tpu.enqueue_dma source(%arg9 : memref<64x128xf32, #tpu.memory_space<vmem>>) target(%dma_start3A_62 : memref<64x128xf32, #tpu.memory_space<vmem_shared>>) target_semaphore(%run_scoped3A : memref<!tpu.dma_semaphore, #tpu.memory_space<semaphore_mem>>)
      %dma_wait3A = arith.constant 0 : i32
      %dma_wait3A_63 = tpu.memref_slice %arg10[%add3A_15, %dma_wait3A] : memref<10240x128xf32, #tpu.memory_space<vmem_shared>> -> memref<64x128xf32, #tpu.memory_space<vmem_shared>>
      %dma_wait3A_64 = arith.constant 0 : i32
      %dma_wait3A_65 = tpu.memref_slice %arg10[%add3A_15, %dma_wait3A_64] : memref<10240x128xf32, #tpu.memory_space<vmem_shared>> -> memref<64x128xf32, #tpu.memory_space<vmem_shared>>
      tpu.wait_dma2 semaphore(%run_scoped3A : memref<!tpu.dma_semaphore, #tpu.memory_space<semaphore_mem>>) src(%arg9 : memref<64x128xf32, #tpu.memory_space<vmem>>) dst(%dma_wait3A_65 : memref<64x128xf32, #tpu.memory_space<vmem_shared>>)
      tpu.yield
    }) : () -> ()
    %mul3A_16 = arith.constant 640 : i32
    %mul3A_17 = arith.muli %arg1, %mul3A_16 : i32
    %add3A_18 = arith.constant 128 : i32
    %add3A_19 = arith.addi %mul3A_17, %add3A_18 : i32
    "tpu.region"() ({
      %run_scoped3A = tpu.sem_alloc : memref<!tpu.dma_semaphore, #tpu.memory_space<semaphore_mem>>
      %dma_start3A = arith.constant 0 : i32
      %dma_start3A_60 = tpu.memref_slice %arg10[%add3A_19, %dma_start3A] : memref<10240x128xf32, #tpu.memory_space<vmem_shared>> -> memref<64x128xf32, #tpu.memory_space<vmem_shared>>
      %dma_start3A_61 = arith.constant 0 : i32
      %dma_start3A_62 = tpu.memref_slice %arg10[%add3A_19, %dma_start3A_61] : memref<10240x128xf32, #tpu.memory_space<vmem_shared>> -> memref<64x128xf32, #tpu.memory_space<vmem_shared>>
      tpu.enqueue_dma source(%arg9 : memref<64x128xf32, #tpu.memory_space<vmem>>) target(%dma_start3A_62 : memref<64x128xf32, #tpu.memory_space<vmem_shared>>) target_semaphore(%run_scoped3A : memref<!tpu.dma_semaphore, #tpu.memory_space<semaphore_mem>>)
      %dma_wait3A = arith.constant 0 : i32
      %dma_wait3A_63 = tpu.memref_slice %arg10[%add3A_19, %dma_wait3A] : memref<10240x128xf32, #tpu.memory_space<vmem_shared>> -> memref<64x128xf32, #tpu.memory_space<vmem_shared>>
      %dma_wait3A_64 = arith.constant 0 : i32
      %dma_wait3A_65 = tpu.memref_slice %arg10[%add3A_19, %dma_wait3A_64] : memref<10240x128xf32, #tpu.memory_space<vmem_shared>> -> memref<64x128xf32, #tpu.memory_space<vmem_shared>>
      tpu.wait_dma2 semaphore(%run_scoped3A : memref<!tpu.dma_semaphore, #tpu.memory_space<semaphore_mem>>) src(%arg9 : memref<64x128xf32, #tpu.memory_space<vmem>>) dst(%dma_wait3A_65 : memref<64x128xf32, #tpu.memory_space<vmem_shared>>)
      tpu.yield
    }) : () -> ()
    %mul3A_20 = arith.constant 640 : i32
    %mul3A_21 = arith.muli %arg1, %mul3A_20 : i32
    %add3A_22 = arith.constant 192 : i32
    %add3A_23 = arith.addi %mul3A_21, %add3A_22 : i32
    "tpu.region"() ({
      %run_scoped3A = tpu.sem_alloc : memref<!tpu.dma_semaphore, #tpu.memory_space<semaphore_mem>>
      %dma_start3A = arith.constant 0 : i32
      %dma_start3A_60 = tpu.memref_slice %arg10[%add3A_23, %dma_start3A] : memref<10240x128xf32, #tpu.memory_space<vmem_shared>> -> memref<64x128xf32, #tpu.memory_space<vmem_shared>>
      %dma_start3A_61 = arith.constant 0 : i32
      %dma_start3A_62 = tpu.memref_slice %arg10[%add3A_23, %dma_start3A_61] : memref<10240x128xf32, #tpu.memory_space<vmem_shared>> -> memref<64x128xf32, #tpu.memory_space<vmem_shared>>
      tpu.enqueue_dma source(%arg9 : memref<64x128xf32, #tpu.memory_space<vmem>>) target(%dma_start3A_62 : memref<64x128xf32, #tpu.memory_space<vmem_shared>>) target_semaphore(%run_scoped3A : memref<!tpu.dma_semaphore, #tpu.memory_space<semaphore_mem>>)
      %dma_wait3A = arith.constant 0 : i32
      %dma_wait3A_63 = tpu.memref_slice %arg10[%add3A_23, %dma_wait3A] : memref<10240x128xf32, #tpu.memory_space<vmem_shared>> -> memref<64x128xf32, #tpu.memory_space<vmem_shared>>
      %dma_wait3A_64 = arith.constant 0 : i32
      %dma_wait3A_65 = tpu.memref_slice %arg10[%add3A_23, %dma_wait3A_64] : memref<10240x128xf32, #tpu.memory_space<vmem_shared>> -> memref<64x128xf32, #tpu.memory_space<vmem_shared>>
      tpu.wait_dma2 semaphore(%run_scoped3A : memref<!tpu.dma_semaphore, #tpu.memory_space<semaphore_mem>>) src(%arg9 : memref<64x128xf32, #tpu.memory_space<vmem>>) dst(%dma_wait3A_65 : memref<64x128xf32, #tpu.memory_space<vmem_shared>>)
      tpu.yield
    }) : () -> ()
    %mul3A_24 = arith.constant 640 : i32
    %mul3A_25 = arith.muli %arg1, %mul3A_24 : i32
    %add3A_26 = arith.constant 256 : i32
    %add3A_27 = arith.addi %mul3A_25, %add3A_26 : i32
    "tpu.region"() ({
      %run_scoped3A = tpu.sem_alloc : memref<!tpu.dma_semaphore, #tpu.memory_space<semaphore_mem>>
      %dma_start3A = arith.constant 0 : i32
      %dma_start3A_60 = tpu.memref_slice %arg10[%add3A_27, %dma_start3A] : memref<10240x128xf32, #tpu.memory_space<vmem_shared>> -> memref<64x128xf32, #tpu.memory_space<vmem_shared>>
      %dma_start3A_61 = arith.constant 0 : i32
      %dma_start3A_62 = tpu.memref_slice %arg10[%add3A_27, %dma_start3A_61] : memref<10240x128xf32, #tpu.memory_space<vmem_shared>> -> memref<64x128xf32, #tpu.memory_space<vmem_shared>>
      tpu.enqueue_dma source(%arg9 : memref<64x128xf32, #tpu.memory_space<vmem>>) target(%dma_start3A_62 : memref<64x128xf32, #tpu.memory_space<vmem_shared>>) target_semaphore(%run_scoped3A : memref<!tpu.dma_semaphore, #tpu.memory_space<semaphore_mem>>)
      %dma_wait3A = arith.constant 0 : i32
      %dma_wait3A_63 = tpu.memref_slice %arg10[%add3A_27, %dma_wait3A] : memref<10240x128xf32, #tpu.memory_space<vmem_shared>> -> memref<64x128xf32, #tpu.memory_space<vmem_shared>>
      %dma_wait3A_64 = arith.constant 0 : i32
      %dma_wait3A_65 = tpu.memref_slice %arg10[%add3A_27, %dma_wait3A_64] : memref<10240x128xf32, #tpu.memory_space<vmem_shared>> -> memref<64x128xf32, #tpu.memory_space<vmem_shared>>
      tpu.wait_dma2 semaphore(%run_scoped3A : memref<!tpu.dma_semaphore, #tpu.memory_space<semaphore_mem>>) src(%arg9 : memref<64x128xf32, #tpu.memory_space<vmem>>) dst(%dma_wait3A_65 : memref<64x128xf32, #tpu.memory_space<vmem_shared>>)
      tpu.yield
    }) : () -> ()
    %mul3A_28 = arith.constant 640 : i32
    %mul3A_29 = arith.muli %arg1, %mul3A_28 : i32
    %add3A_30 = arith.constant 320 : i32
    %add3A_31 = arith.addi %mul3A_29, %add3A_30 : i32
    "tpu.region"() ({
      %run_scoped3A = tpu.sem_alloc : memref<!tpu.dma_semaphore, #tpu.memory_space<semaphore_mem>>
      %dma_start3A = arith.constant 0 : i32
      %dma_start3A_60 = tpu.memref_slice %arg10[%add3A_31, %dma_start3A] : memref<10240x128xf32, #tpu.memory_space<vmem_shared>> -> memref<64x128xf32, #tpu.memory_space<vmem_shared>>
      %dma_start3A_61 = arith.constant 0 : i32
      %dma_start3A_62 = tpu.memref_slice %arg10[%add3A_31, %dma_start3A_61] : memref<10240x128xf32, #tpu.memory_space<vmem_shared>> -> memref<64x128xf32, #tpu.memory_space<vmem_shared>>
      tpu.enqueue_dma source(%arg9 : memref<64x128xf32, #tpu.memory_space<vmem>>) target(%dma_start3A_62 : memref<64x128xf32, #tpu.memory_space<vmem_shared>>) target_semaphore(%run_scoped3A : memref<!tpu.dma_semaphore, #tpu.memory_space<semaphore_mem>>)
      %dma_wait3A = arith.constant 0 : i32
      %dma_wait3A_63 = tpu.memref_slice %arg10[%add3A_31, %dma_wait3A] : memref<10240x128xf32, #tpu.memory_space<vmem_shared>> -> memref<64x128xf32, #tpu.memory_space<vmem_shared>>
      %dma_wait3A_64 = arith.constant 0 : i32
      %dma_wait3A_65 = tpu.memref_slice %arg10[%add3A_31, %dma_wait3A_64] : memref<10240x128xf32, #tpu.memory_space<vmem_shared>> -> memref<64x128xf32, #tpu.memory_space<vmem_shared>>
      tpu.wait_dma2 semaphore(%run_scoped3A : memref<!tpu.dma_semaphore, #tpu.memory_space<semaphore_mem>>) src(%arg9 : memref<64x128xf32, #tpu.memory_space<vmem>>) dst(%dma_wait3A_65 : memref<64x128xf32, #tpu.memory_space<vmem_shared>>)
      tpu.yield
    }) : () -> ()
    %mul3A_32 = arith.constant 640 : i32
    %mul3A_33 = arith.muli %arg1, %mul3A_32 : i32
    %add3A_34 = arith.constant 384 : i32
    %add3A_35 = arith.addi %mul3A_33, %add3A_34 : i32
    "tpu.region"() ({
      %run_scoped3A = tpu.sem_alloc : memref<!tpu.dma_semaphore, #tpu.memory_space<semaphore_mem>>
      %dma_start3A = arith.constant 0 : i32
      %dma_start3A_60 = tpu.memref_slice %arg10[%add3A_35, %dma_start3A] : memref<10240x128xf32, #tpu.memory_space<vmem_shared>> -> memref<64x128xf32, #tpu.memory_space<vmem_shared>>
      %dma_start3A_61 = arith.constant 0 : i32
      %dma_start3A_62 = tpu.memref_slice %arg10[%add3A_35, %dma_start3A_61] : memref<10240x128xf32, #tpu.memory_space<vmem_shared>> -> memref<64x128xf32, #tpu.memory_space<vmem_shared>>
      tpu.enqueue_dma source(%arg9 : memref<64x128xf32, #tpu.memory_space<vmem>>) target(%dma_start3A_62 : memref<64x128xf32, #tpu.memory_space<vmem_shared>>) target_semaphore(%run_scoped3A : memref<!tpu.dma_semaphore, #tpu.memory_space<semaphore_mem>>)
      %dma_wait3A = arith.constant 0 : i32
      %dma_wait3A_63 = tpu.memref_slice %arg10[%add3A_35, %dma_wait3A] : memref<10240x128xf32, #tpu.memory_space<vmem_shared>> -> memref<64x128xf32, #tpu.memory_space<vmem_shared>>
      %dma_wait3A_64 = arith.constant 0 : i32
      %dma_wait3A_65 = tpu.memref_slice %arg10[%add3A_35, %dma_wait3A_64] : memref<10240x128xf32, #tpu.memory_space<vmem_shared>> -> memref<64x128xf32, #tpu.memory_space<vmem_shared>>
      tpu.wait_dma2 semaphore(%run_scoped3A : memref<!tpu.dma_semaphore, #tpu.memory_space<semaphore_mem>>) src(%arg9 : memref<64x128xf32, #tpu.memory_space<vmem>>) dst(%dma_wait3A_65 : memref<64x128xf32, #tpu.memory_space<vmem_shared>>)
      tpu.yield
    }) : () -> ()
    %mul3A_36 = arith.constant 640 : i32
    %mul3A_37 = arith.muli %arg1, %mul3A_36 : i32
    %add3A_38 = arith.constant 448 : i32
    %add3A_39 = arith.addi %mul3A_37, %add3A_38 : i32
    "tpu.region"() ({
      %run_scoped3A = tpu.sem_alloc : memref<!tpu.dma_semaphore, #tpu.memory_space<semaphore_mem>>
      %dma_start3A = arith.constant 0 : i32
      %dma_start3A_60 = tpu.memref_slice %arg10[%add3A_39, %dma_start3A] : memref<10240x128xf32, #tpu.memory_space<vmem_shared>> -> memref<64x128xf32, #tpu.memory_space<vmem_shared>>
      %dma_start3A_61 = arith.constant 0 : i32
      %dma_start3A_62 = tpu.memref_slice %arg10[%add3A_39, %dma_start3A_61] : memref<10240x128xf32, #tpu.memory_space<vmem_shared>> -> memref<64x128xf32, #tpu.memory_space<vmem_shared>>
      tpu.enqueue_dma source(%arg9 : memref<64x128xf32, #tpu.memory_space<vmem>>) target(%dma_start3A_62 : memref<64x128xf32, #tpu.memory_space<vmem_shared>>) target_semaphore(%run_scoped3A : memref<!tpu.dma_semaphore, #tpu.memory_space<semaphore_mem>>)
      %dma_wait3A = arith.constant 0 : i32
      %dma_wait3A_63 = tpu.memref_slice %arg10[%add3A_39, %dma_wait3A] : memref<10240x128xf32, #tpu.memory_space<vmem_shared>> -> memref<64x128xf32, #tpu.memory_space<vmem_shared>>
      %dma_wait3A_64 = arith.constant 0 : i32
      %dma_wait3A_65 = tpu.memref_slice %arg10[%add3A_39, %dma_wait3A_64] : memref<10240x128xf32, #tpu.memory_space<vmem_shared>> -> memref<64x128xf32, #tpu.memory_space<vmem_shared>>
      tpu.wait_dma2 semaphore(%run_scoped3A : memref<!tpu.dma_semaphore, #tpu.memory_space<semaphore_mem>>) src(%arg9 : memref<64x128xf32, #tpu.memory_space<vmem>>) dst(%dma_wait3A_65 : memref<64x128xf32, #tpu.memory_space<vmem_shared>>)
      tpu.yield
    }) : () -> ()
    %mul3A_40 = arith.constant 640 : i32
    %mul3A_41 = arith.muli %arg1, %mul3A_40 : i32
    %add3A_42 = arith.constant 512 : i32
    %add3A_43 = arith.addi %mul3A_41, %add3A_42 : i32
    "tpu.region"() ({
      %run_scoped3A = tpu.sem_alloc : memref<!tpu.dma_semaphore, #tpu.memory_space<semaphore_mem>>
      %dma_start3A = arith.constant 0 : i32
      %dma_start3A_60 = tpu.memref_slice %arg10[%add3A_43, %dma_start3A] : memref<10240x128xf32, #tpu.memory_space<vmem_shared>> -> memref<64x128xf32, #tpu.memory_space<vmem_shared>>
      %dma_start3A_61 = arith.constant 0 : i32
      %dma_start3A_62 = tpu.memref_slice %arg10[%add3A_43, %dma_start3A_61] : memref<10240x128xf32, #tpu.memory_space<vmem_shared>> -> memref<64x128xf32, #tpu.memory_space<vmem_shared>>
      tpu.enqueue_dma source(%arg9 : memref<64x128xf32, #tpu.memory_space<vmem>>) target(%dma_start3A_62 : memref<64x128xf32, #tpu.memory_space<vmem_shared>>) target_semaphore(%run_scoped3A : memref<!tpu.dma_semaphore, #tpu.memory_space<semaphore_mem>>)
      %dma_wait3A = arith.constant 0 : i32
      %dma_wait3A_63 = tpu.memref_slice %arg10[%add3A_43, %dma_wait3A] : memref<10240x128xf32, #tpu.memory_space<vmem_shared>> -> memref<64x128xf32, #tpu.memory_space<vmem_shared>>
      %dma_wait3A_64 = arith.constant 0 : i32
      %dma_wait3A_65 = tpu.memref_slice %arg10[%add3A_43, %dma_wait3A_64] : memref<10240x128xf32, #tpu.memory_space<vmem_shared>> -> memref<64x128xf32, #tpu.memory_space<vmem_shared>>
      tpu.wait_dma2 semaphore(%run_scoped3A : memref<!tpu.dma_semaphore, #tpu.memory_space<semaphore_mem>>) src(%arg9 : memref<64x128xf32, #tpu.memory_space<vmem>>) dst(%dma_wait3A_65 : memref<64x128xf32, #tpu.memory_space<vmem_shared>>)
      tpu.yield
    }) : () -> ()
    %mul3A_44 = arith.constant 640 : i32
    %mul3A_45 = arith.muli %arg1, %mul3A_44 : i32
    %add3A_46 = arith.constant 576 : i32
    %add3A_47 = arith.addi %mul3A_45, %add3A_46 : i32
    "tpu.region"() ({
      %run_scoped3A = tpu.sem_alloc : memref<!tpu.dma_semaphore, #tpu.memory_space<semaphore_mem>>
      %dma_start3A = arith.constant 0 : i32
      %dma_start3A_60 = tpu.memref_slice %arg10[%add3A_47, %dma_start3A] : memref<10240x128xf32, #tpu.memory_space<vmem_shared>> -> memref<64x128xf32, #tpu.memory_space<vmem_shared>>
      %dma_start3A_61 = arith.constant 0 : i32
      %dma_start3A_62 = tpu.memref_slice %arg10[%add3A_47, %dma_start3A_61] : memref<10240x128xf32, #tpu.memory_space<vmem_shared>> -> memref<64x128xf32, #tpu.memory_space<vmem_shared>>
      tpu.enqueue_dma source(%arg9 : memref<64x128xf32, #tpu.memory_space<vmem>>) target(%dma_start3A_62 : memref<64x128xf32, #tpu.memory_space<vmem_shared>>) target_semaphore(%run_scoped3A : memref<!tpu.dma_semaphore, #tpu.memory_space<semaphore_mem>>)
      %dma_wait3A = arith.constant 0 : i32
      %dma_wait3A_63 = tpu.memref_slice %arg10[%add3A_47, %dma_wait3A] : memref<10240x128xf32, #tpu.memory_space<vmem_shared>> -> memref<64x128xf32, #tpu.memory_space<vmem_shared>>
      %dma_wait3A_64 = arith.constant 0 : i32
      %dma_wait3A_65 = tpu.memref_slice %arg10[%add3A_47, %dma_wait3A_64] : memref<10240x128xf32, #tpu.memory_space<vmem_shared>> -> memref<64x128xf32, #tpu.memory_space<vmem_shared>>
      tpu.wait_dma2 semaphore(%run_scoped3A : memref<!tpu.dma_semaphore, #tpu.memory_space<semaphore_mem>>) src(%arg9 : memref<64x128xf32, #tpu.memory_space<vmem>>) dst(%dma_wait3A_65 : memref<64x128xf32, #tpu.memory_space<vmem_shared>>)
      tpu.yield
    }) : () -> ()
    %barrier3A = arith.constant 0 : index
    tpu.barrier barrier_id(%barrier3A)
    %scan3A_48 = arith.constant 0 : i32
    %scan3A_49 = arith.constant 0 : i32
    %scan3A_50 = arith.constant 79 : i32
    %scan3A_51 = arith.addi %scan3A_49, %scan3A_50 : i32
    %scan3A_52 = arith.constant 1 : i32
    %scan3A_53 = scf.for %scan3A_60 = %scan3A_49 to %scan3A_51 step %scan3A_52 iter_args(%scan3A_61 = %scan3A_48) -> (i32)  : i32 {
      %mul3A_62 = arith.constant 79 : i32
      %mul3A_63 = arith.muli %add3A, %mul3A_62 : i32
      %add3A_64 = arith.addi %mul3A_63, %scan3A_60 : i32
      %mul3A_65 = arith.constant 128 : i32
      %mul3A_66 = arith.muli %add3A_64, %mul3A_65 : i32
      "tpu.region"() ({
        %run_scoped3A = tpu.sem_alloc : memref<!tpu.dma_semaphore, #tpu.memory_space<semaphore_mem>>
        %dma_start3A_72 = tpu.memref_slice %arg3[%mul3A_66] : memref<323584xi32, #tpu.memory_space<hbm>> -> memref<128xi32, #tpu.memory_space<hbm>>
        %dma_start3A_73 = tpu.memref_slice %arg3[%mul3A_66] : memref<323584xi32, #tpu.memory_space<hbm>> -> memref<128xi32, #tpu.memory_space<hbm>>
        tpu.enqueue_dma source(%dma_start3A_73 : memref<128xi32, #tpu.memory_space<hbm>>) target(%arg6 : memref<128xi32, #tpu.memory_space<vmem>>) target_semaphore(%run_scoped3A : memref<!tpu.dma_semaphore, #tpu.memory_space<semaphore_mem>>)
        %dma_wait3A_74 = tpu.memref_slice %arg3[%mul3A_66] : memref<323584xi32, #tpu.memory_space<hbm>> -> memref<128xi32, #tpu.memory_space<hbm>>
        %dma_wait3A_75 = tpu.memref_slice %arg3[%mul3A_66] : memref<323584xi32, #tpu.memory_space<hbm>> -> memref<128xi32, #tpu.memory_space<hbm>>
        tpu.wait_dma2 semaphore(%run_scoped3A : memref<!tpu.dma_semaphore, #tpu.memory_space<semaphore_mem>>) src(%dma_wait3A_75 : memref<128xi32, #tpu.memory_space<hbm>>) dst(%arg6 : memref<128xi32, #tpu.memory_space<vmem>>)
        tpu.yield
      }) : () -> ()
      "tpu.region"() ({
        %run_scoped3A = tpu.sem_alloc : memref<!tpu.dma_semaphore, #tpu.memory_space<semaphore_mem>>
        %dma_start3A_72 = tpu.memref_slice %arg4[%mul3A_66] : memref<323584xi32, #tpu.memory_space<hbm>> -> memref<128xi32, #tpu.memory_space<hbm>>
        %dma_start3A_73 = tpu.memref_slice %arg4[%mul3A_66] : memref<323584xi32, #tpu.memory_space<hbm>> -> memref<128xi32, #tpu.memory_space<hbm>>
        tpu.enqueue_dma source(%dma_start3A_73 : memref<128xi32, #tpu.memory_space<hbm>>) target(%arg7 : memref<128xi32, #tpu.memory_space<vmem>>) target_semaphore(%run_scoped3A : memref<!tpu.dma_semaphore, #tpu.memory_space<semaphore_mem>>)
        %dma_wait3A_74 = tpu.memref_slice %arg4[%mul3A_66] : memref<323584xi32, #tpu.memory_space<hbm>> -> memref<128xi32, #tpu.memory_space<hbm>>
        %dma_wait3A_75 = tpu.memref_slice %arg4[%mul3A_66] : memref<323584xi32, #tpu.memory_space<hbm>> -> memref<128xi32, #tpu.memory_space<hbm>>
        tpu.wait_dma2 semaphore(%run_scoped3A : memref<!tpu.dma_semaphore, #tpu.memory_space<semaphore_mem>>) src(%dma_wait3A_75 : memref<128xi32, #tpu.memory_space<hbm>>) dst(%arg7 : memref<128xi32, #tpu.memory_space<vmem>>)
        tpu.yield
      }) : () -> ()
      %dma_start3A = arith.constant 0 : i32
      %dma_start3A_67 = arith.constant 0 : i32
      %dma_start3A_68 = tpu.memref_slice %arg2[%dma_start3A, %dma_start3A_67] : memref<10240x128xf32, #tpu.memory_space<hbm>> -> memref<10240x128xf32, #tpu.memory_space<hbm>>
      tpu.enqueue_indirect_dma source(%dma_start3A_68 : memref<10240x128xf32, #tpu.memory_space<hbm>>) target(%arg8 : memref<128x128xf32, #tpu.memory_space<vmem>>) offsets(%arg6 : memref<128xi32, #tpu.memory_space<vmem>>) semaphore(%arg11 : memref<!tpu.dma_semaphore, #tpu.memory_space<semaphore_mem>>)
      %dma_wait3A = arith.constant 0 : i32
      %dma_wait3A_69 = arith.constant 0 : i32
      %dma_wait3A_70 = tpu.memref_slice %arg2[%dma_wait3A, %dma_wait3A_69] : memref<10240x128xf32, #tpu.memory_space<hbm>> -> memref<10240x128xf32, #tpu.memory_space<hbm>>
      tpu.wait_indirect_dma semaphore(%arg11 : memref<!tpu.dma_semaphore, #tpu.memory_space<semaphore_mem>>) src(%dma_wait3A_70 : memref<10240x128xf32, #tpu.memory_space<hbm>>) dst(%arg8 : memref<128x128xf32, #tpu.memory_space<vmem>>)
      "tpu.region"() ({
        %run_scoped3A = tpu.sem_alloc : memref<!tpu.dma_semaphore, #tpu.memory_space<semaphore_mem>>
        %dma_start3A_72 = arith.constant 0 : i32
        %dma_start3A_73 = arith.constant 0 : i32
        %dma_start3A_74 = tpu.memref_slice %arg10[%dma_start3A_72, %dma_start3A_73] : memref<10240x128xf32, #tpu.memory_space<vmem_shared>> -> memref<10240x128xf32, #tpu.memory_space<vmem_shared>>
        tpu.enqueue_indirect_dma source(%arg8 : memref<128x128xf32, #tpu.memory_space<vmem>>) target(%dma_start3A_74 : memref<10240x128xf32, #tpu.memory_space<vmem_shared>>) offsets(%arg7 : memref<128xi32, #tpu.memory_space<vmem>>) semaphore(%run_scoped3A : memref<!tpu.dma_semaphore, #tpu.memory_space<semaphore_mem>>) {add = true}
        %dma_wait3A_75 = arith.constant 0 : i32
        %dma_wait3A_76 = arith.constant 0 : i32
        %dma_wait3A_77 = tpu.memref_slice %arg10[%dma_wait3A_75, %dma_wait3A_76] : memref<10240x128xf32, #tpu.memory_space<vmem_shared>> -> memref<10240x128xf32, #tpu.memory_space<vmem_shared>>
        tpu.wait_indirect_dma semaphore(%run_scoped3A : memref<!tpu.dma_semaphore, #tpu.memory_space<semaphore_mem>>) src(%arg8 : memref<128x128xf32, #tpu.memory_space<vmem>>) dst(%dma_wait3A_77 : memref<10240x128xf32, #tpu.memory_space<vmem_shared>>)
        tpu.yield
      }) : () -> ()
      %scan3A_71 = arith.constant 0 : i32
      scf.yield %scan3A_71 : i32
    }
    %scan3A_54 = arith.constant 79 : i32
    %barrier3A_55 = arith.constant 0 : index
    tpu.barrier barrier_id(%barrier3A_55)
    %mul3A_56 = arith.constant 640 : i32
    %mul3A_57 = arith.muli %arg1, %mul3A_56 : i32
    %mul3A_58 = arith.constant 640 : i32
    %mul3A_59 = arith.muli %arg1, %mul3A_58 : i32
    "tpu.region"() ({
      %run_scoped3A = tpu.sem_alloc : memref<!tpu.dma_semaphore, #tpu.memory_space<semaphore_mem>>
      %dma_start3A = arith.constant 0 : i32
      %dma_start3A_60 = tpu.memref_slice %arg5[%arg0, %mul3A_59, %dma_start3A] : memref<2x10240x128xf32, #tpu.memory_space<hbm>> -> memref<1x640x128xf32, #tpu.memory_space<hbm>>
      %dma_start3A_61 = tpu.memref_squeeze %dma_start3A_60 : memref<1x640x128xf32, #tpu.memory_space<hbm>> -> memref<640x128xf32, #tpu.memory_space<hbm>>
      %dma_start3A_62 = arith.constant 0 : i32
      %dma_start3A_63 = tpu.memref_slice %arg10[%mul3A_57, %dma_start3A_62] : memref<10240x128xf32, #tpu.memory_space<vmem_shared>> -> memref<640x128xf32, #tpu.memory_space<vmem_shared>>
      tpu.enqueue_dma source(%dma_start3A_63 : memref<640x128xf32, #tpu.memory_space<vmem_shared>>) target(%dma_start3A_61 : memref<640x128xf32, #tpu.memory_space<hbm>>) target_semaphore(%run_scoped3A : memref<!tpu.dma_semaphore, #tpu.memory_space<semaphore_mem>>)
      %dma_wait3A = arith.constant 0 : i32
      %dma_wait3A_64 = tpu.memref_slice %arg5[%arg0, %mul3A_59, %dma_wait3A] : memref<2x10240x128xf32, #tpu.memory_space<hbm>> -> memref<1x640x128xf32, #tpu.memory_space<hbm>>
      %dma_wait3A_65 = tpu.memref_squeeze %dma_wait3A_64 : memref<1x640x128xf32, #tpu.memory_space<hbm>> -> memref<640x128xf32, #tpu.memory_space<hbm>>
      %dma_wait3A_66 = arith.constant 0 : i32
      %dma_wait3A_67 = tpu.memref_slice %arg10[%mul3A_57, %dma_wait3A_66] : memref<10240x128xf32, #tpu.memory_space<vmem_shared>> -> memref<640x128xf32, #tpu.memory_space<vmem_shared>>
      tpu.wait_dma2 semaphore(%run_scoped3A : memref<!tpu.dma_semaphore, #tpu.memory_space<semaphore_mem>>) src(%dma_wait3A_67 : memref<640x128xf32, #tpu.memory_space<vmem_shared>>) dst(%dma_wait3A_65 : memref<640x128xf32, #tpu.memory_space<hbm>>)
      tpu.yield
    }) : () -> ()
    return
  }
}

#map = affine_map<(d0, d1) -> (0, 0)>
#map1 = affine_map<(d0, d1) -> (0)>
#map2 = affine_map<(d0, d1) -> (0, 0, 0)>
module attributes {stable_mosaic.version = 14 : i64} {
  func.func @_agg_kernel(%arg0: i32, %arg1: i32, %arg2: memref<10240x128xf32, #tpu.memory_space<hbm>>, %arg3: memref<323584xi32, #tpu.memory_space<hbm>>, %arg4: memref<323584xi32, #tpu.memory_space<hbm>>, %arg5: memref<2x10240x128xf32, #tpu.memory_space<hbm>>, %arg6: memref<128xi32, #tpu.memory_space<vmem>>, %arg7: memref<128xi32, #tpu.memory_space<vmem>>, %arg8: memref<128x128xf32, #tpu.memory_space<vmem>>, %arg9: memref<64x128xf32, #tpu.memory_space<vmem>>, %arg10: memref<10240x128xf32, #tpu.memory_space<vmem_shared>>, %arg11: memref<!tpu.dma_semaphore, #tpu.memory_space<semaphore_mem>>) attributes {dimension_semantics = [#tpu.dimension_semantics<core_parallel>, #tpu.dimension_semantics<subcore_parallel>], iteration_bounds = array<i64: 2, 16>, scalar_prefetch = 0 : i64, scratch_operands = 6 : i64, tpu.core_type = #tpu.core_type<sc_vector_subcore>, window_params = [{transform_indices = #map}, {transform_indices = #map1}, {transform_indices = #map1}, {transform_indices = #map2}]} {
    %mul3A = arith.constant 2 : i32
    %mul3A_0 = arith.muli %arg1, %mul3A : i32
    %add3A = arith.addi %mul3A_0, %arg0 : i32
    %broadcast_in_dim3A = arith.constant 0.000000e+00 : f32
    %broadcast_in_dim3A_1 = vector.broadcast %broadcast_in_dim3A : f32 to vector<16xf32>
    %scan3A = arith.constant 0 : i32
    %scan3A_2 = arith.constant 0 : i32
    %scan3A_3 = arith.constant 512 : i32
    %scan3A_4 = arith.addi %scan3A_2, %scan3A_3 : i32
    %scan3A_5 = arith.constant 1 : i32
    %scan3A_6 = scf.for %scan3A_60 = %scan3A_2 to %scan3A_4 step %scan3A_5 iter_args(%scan3A_61 = %scan3A) -> (i32)  : i32 {
      %jit3A = arith.constant 8 : i32
      %div3A = arith.divsi %scan3A_60, %jit3A : i32
      %sign3A = arith.constant 0 : i32
      %sign3A_62 = arith.cmpi sgt, %scan3A_60, %sign3A : i32
      %sign3A_63 = arith.extui %sign3A_62 : i1 to i32
      %sign3A_64 = arith.constant 0 : i32
      %sign3A_65 = arith.cmpi slt, %scan3A_60, %sign3A_64 : i32
      %sign3A_66 = arith.extui %sign3A_65 : i1 to i32
      %sign3A_67 = arith.subi %sign3A_63, %sign3A_66 : i32
      %sign3A_68 = arith.constant 0 : i32
      %sign3A_69 = arith.cmpi sgt, %jit3A, %sign3A_68 : i32
      %sign3A_70 = arith.extui %sign3A_69 : i1 to i32
      %sign3A_71 = arith.constant 0 : i32
      %sign3A_72 = arith.cmpi slt, %jit3A, %sign3A_71 : i32
      %sign3A_73 = arith.extui %sign3A_72 : i1 to i32
      %sign3A_74 = arith.subi %sign3A_70, %sign3A_73 : i32
      %ne3A = arith.cmpi ne, %sign3A_67, %sign3A_74 : i32
      %rem3A = arith.remsi %scan3A_60, %jit3A : i32
      %ne3A_75 = arith.constant 0 : i32
      %ne3A_76 = arith.cmpi ne, %rem3A, %ne3A_75 : i32
      %and3A = arith.andi %ne3A, %ne3A_76 : i1
      %sub3A = arith.constant 1 : i32
      %sub3A_77 = arith.subi %div3A, %sub3A : i32
      %select_n3A = arith.select %and3A, %sub3A_77, %div3A : i32
      %jit3A_78 = arith.constant 8 : i32
      %eq3A = arith.constant 0 : i32
      %eq3A_79 = arith.cmpi eq, %jit3A_78, %eq3A : i32
      %jit3A_80 = arith.constant 1 : i32
      %select_n3A_81 = arith.select %eq3A_79, %jit3A_80, %jit3A_78 : i32
      %rem3A_82 = arith.remsi %scan3A_60, %select_n3A_81 : i32
      %ne3A_83 = arith.constant 0 : i32
      %ne3A_84 = arith.cmpi ne, %rem3A_82, %ne3A_83 : i32
      %lt3A = arith.constant 0 : i32
      %lt3A_85 = arith.cmpi slt, %rem3A_82, %lt3A : i32
      %lt3A_86 = arith.constant 0 : i32
      %lt3A_87 = arith.cmpi slt, %select_n3A_81, %lt3A_86 : i32
      %ne3A_88 = arith.xori %lt3A_85, %lt3A_87 : i1
      %and3A_89 = arith.andi %ne3A_88, %ne3A_84 : i1
      %add3A_90 = arith.addi %rem3A_82, %select_n3A_81 : i32
      %select_n3A_91 = arith.select %and3A_89, %add3A_90, %rem3A_82 : i32
      %mul3A_92 = arith.constant 16 : i32
      %mul3A_93 = arith.muli %select_n3A_91, %mul3A_92 : i32
      %swap3A = arith.index_cast %select_n3A : i32 to index
      %swap3A_94 = arith.index_cast %mul3A_93 : i32 to index
      %swap3A_95 = tpu.vector_load %arg9[%swap3A, %swap3A_94] {strides = array<i32>} : memref<64x128xf32, #tpu.memory_space<vmem>>, vector<1x16xf32>,
      %swap3A_96 = vector.shape_cast %swap3A_95 : vector<1x16xf32> to vector<16xf32>
      %swap3A_97 = vector.shape_cast %broadcast_in_dim3A_1 : vector<16xf32> to vector<1x16xf32>
      tpu.vector_store %arg9[%swap3A, %swap3A_94], %swap3A_97 {strides = array<i32>} : memref<64x128xf32, #tpu.memory_space<vmem>>, vector<1x16xf32>,
      %scan3A_98 = arith.constant 0 : i32
      scf.yield %scan3A_98 : i32
    }
    %scan3A_7 = arith.constant 512 : i32
    %mul3A_8 = arith.constant 640 : i32
    %mul3A_9 = arith.muli %arg1, %mul3A_8 : i32
    %add3A_10 = arith.constant 0 : i32
    %add3A_11 = arith.addi %mul3A_9, %add3A_10 : i32
    "tpu.region"() ({
      %run_scoped3A = tpu.sem_alloc : memref<!tpu.dma_semaphore, #tpu.memory_space<semaphore_mem>>
      %dma_start3A = arith.constant 0 : i32
      %dma_start3A_60 = tpu.memref_slice %arg10[%add3A_11, %dma_start3A] : memref<10240x128xf32, #tpu.memory_space<vmem_shared>> -> memref<64x128xf32, #tpu.memory_space<vmem_shared>>
      %dma_start3A_61 = arith.constant 0 : i32
      %dma_start3A_62 = tpu.memref_slice %arg10[%add3A_11, %dma_start3A_61] : memref<10240x128xf32, #tpu.memory_space<vmem_shared>> -> memref<64x128xf32, #tpu.memory_space<vmem_shared>>
      tpu.enqueue_dma source(%arg9 : memref<64x128xf32, #tpu.memory_space<vmem>>) target(%dma_start3A_62 : memref<64x128xf32, #tpu.memory_space<vmem_shared>>) target_semaphore(%run_scoped3A : memref<!tpu.dma_semaphore, #tpu.memory_space<semaphore_mem>>)
      %dma_wait3A = arith.constant 0 : i32
      %dma_wait3A_63 = tpu.memref_slice %arg10[%add3A_11, %dma_wait3A] : memref<10240x128xf32, #tpu.memory_space<vmem_shared>> -> memref<64x128xf32, #tpu.memory_space<vmem_shared>>
      %dma_wait3A_64 = arith.constant 0 : i32
      %dma_wait3A_65 = tpu.memref_slice %arg10[%add3A_11, %dma_wait3A_64] : memref<10240x128xf32, #tpu.memory_space<vmem_shared>> -> memref<64x128xf32, #tpu.memory_space<vmem_shared>>
      tpu.wait_dma2 semaphore(%run_scoped3A : memref<!tpu.dma_semaphore, #tpu.memory_space<semaphore_mem>>) src(%arg9 : memref<64x128xf32, #tpu.memory_space<vmem>>) dst(%dma_wait3A_65 : memref<64x128xf32, #tpu.memory_space<vmem_shared>>)
      tpu.yield
    }) : () -> ()
    %mul3A_12 = arith.constant 640 : i32
    %mul3A_13 = arith.muli %arg1, %mul3A_12 : i32
    %add3A_14 = arith.constant 64 : i32
    %add3A_15 = arith.addi %mul3A_13, %add3A_14 : i32
    "tpu.region"() ({
      %run_scoped3A = tpu.sem_alloc : memref<!tpu.dma_semaphore, #tpu.memory_space<semaphore_mem>>
      %dma_start3A = arith.constant 0 : i32
      %dma_start3A_60 = tpu.memref_slice %arg10[%add3A_15, %dma_start3A] : memref<10240x128xf32, #tpu.memory_space<vmem_shared>> -> memref<64x128xf32, #tpu.memory_space<vmem_shared>>
      %dma_start3A_61 = arith.constant 0 : i32
      %dma_start3A_62 = tpu.memref_slice %arg10[%add3A_15, %dma_start3A_61] : memref<10240x128xf32, #tpu.memory_space<vmem_shared>> -> memref<64x128xf32, #tpu.memory_space<vmem_shared>>
      tpu.enqueue_dma source(%arg9 : memref<64x128xf32, #tpu.memory_space<vmem>>) target(%dma_start3A_62 : memref<64x128xf32, #tpu.memory_space<vmem_shared>>) target_semaphore(%run_scoped3A : memref<!tpu.dma_semaphore, #tpu.memory_space<semaphore_mem>>)
      %dma_wait3A = arith.constant 0 : i32
      %dma_wait3A_63 = tpu.memref_slice %arg10[%add3A_15, %dma_wait3A] : memref<10240x128xf32, #tpu.memory_space<vmem_shared>> -> memref<64x128xf32, #tpu.memory_space<vmem_shared>>
      %dma_wait3A_64 = arith.constant 0 : i32
      %dma_wait3A_65 = tpu.memref_slice %arg10[%add3A_15, %dma_wait3A_64] : memref<10240x128xf32, #tpu.memory_space<vmem_shared>> -> memref<64x128xf32, #tpu.memory_space<vmem_shared>>
      tpu.wait_dma2 semaphore(%run_scoped3A : memref<!tpu.dma_semaphore, #tpu.memory_space<semaphore_mem>>) src(%arg9 : memref<64x128xf32, #tpu.memory_space<vmem>>) dst(%dma_wait3A_65 : memref<64x128xf32, #tpu.memory_space<vmem_shared>>)
      tpu.yield
    }) : () -> ()
    %mul3A_16 = arith.constant 640 : i32
    %mul3A_17 = arith.muli %arg1, %mul3A_16 : i32
    %add3A_18 = arith.constant 128 : i32
    %add3A_19 = arith.addi %mul3A_17, %add3A_18 : i32
    "tpu.region"() ({
      %run_scoped3A = tpu.sem_alloc : memref<!tpu.dma_semaphore, #tpu.memory_space<semaphore_mem>>
      %dma_start3A = arith.constant 0 : i32
      %dma_start3A_60 = tpu.memref_slice %arg10[%add3A_19, %dma_start3A] : memref<10240x128xf32, #tpu.memory_space<vmem_shared>> -> memref<64x128xf32, #tpu.memory_space<vmem_shared>>
      %dma_start3A_61 = arith.constant 0 : i32
      %dma_start3A_62 = tpu.memref_slice %arg10[%add3A_19, %dma_start3A_61] : memref<10240x128xf32, #tpu.memory_space<vmem_shared>> -> memref<64x128xf32, #tpu.memory_space<vmem_shared>>
      tpu.enqueue_dma source(%arg9 : memref<64x128xf32, #tpu.memory_space<vmem>>) target(%dma_start3A_62 : memref<64x128xf32, #tpu.memory_space<vmem_shared>>) target_semaphore(%run_scoped3A : memref<!tpu.dma_semaphore, #tpu.memory_space<semaphore_mem>>)
      %dma_wait3A = arith.constant 0 : i32
      %dma_wait3A_63 = tpu.memref_slice %arg10[%add3A_19, %dma_wait3A] : memref<10240x128xf32, #tpu.memory_space<vmem_shared>> -> memref<64x128xf32, #tpu.memory_space<vmem_shared>>
      %dma_wait3A_64 = arith.constant 0 : i32
      %dma_wait3A_65 = tpu.memref_slice %arg10[%add3A_19, %dma_wait3A_64] : memref<10240x128xf32, #tpu.memory_space<vmem_shared>> -> memref<64x128xf32, #tpu.memory_space<vmem_shared>>
      tpu.wait_dma2 semaphore(%run_scoped3A : memref<!tpu.dma_semaphore, #tpu.memory_space<semaphore_mem>>) src(%arg9 : memref<64x128xf32, #tpu.memory_space<vmem>>) dst(%dma_wait3A_65 : memref<64x128xf32, #tpu.memory_space<vmem_shared>>)
      tpu.yield
    }) : () -> ()
    %mul3A_20 = arith.constant 640 : i32
    %mul3A_21 = arith.muli %arg1, %mul3A_20 : i32
    %add3A_22 = arith.constant 192 : i32
    %add3A_23 = arith.addi %mul3A_21, %add3A_22 : i32
    "tpu.region"() ({
      %run_scoped3A = tpu.sem_alloc : memref<!tpu.dma_semaphore, #tpu.memory_space<semaphore_mem>>
      %dma_start3A = arith.constant 0 : i32
      %dma_start3A_60 = tpu.memref_slice %arg10[%add3A_23, %dma_start3A] : memref<10240x128xf32, #tpu.memory_space<vmem_shared>> -> memref<64x128xf32, #tpu.memory_space<vmem_shared>>
      %dma_start3A_61 = arith.constant 0 : i32
      %dma_start3A_62 = tpu.memref_slice %arg10[%add3A_23, %dma_start3A_61] : memref<10240x128xf32, #tpu.memory_space<vmem_shared>> -> memref<64x128xf32, #tpu.memory_space<vmem_shared>>
      tpu.enqueue_dma source(%arg9 : memref<64x128xf32, #tpu.memory_space<vmem>>) target(%dma_start3A_62 : memref<64x128xf32, #tpu.memory_space<vmem_shared>>) target_semaphore(%run_scoped3A : memref<!tpu.dma_semaphore, #tpu.memory_space<semaphore_mem>>)
      %dma_wait3A = arith.constant 0 : i32
      %dma_wait3A_63 = tpu.memref_slice %arg10[%add3A_23, %dma_wait3A] : memref<10240x128xf32, #tpu.memory_space<vmem_shared>> -> memref<64x128xf32, #tpu.memory_space<vmem_shared>>
      %dma_wait3A_64 = arith.constant 0 : i32
      %dma_wait3A_65 = tpu.memref_slice %arg10[%add3A_23, %dma_wait3A_64] : memref<10240x128xf32, #tpu.memory_space<vmem_shared>> -> memref<64x128xf32, #tpu.memory_space<vmem_shared>>
      tpu.wait_dma2 semaphore(%run_scoped3A : memref<!tpu.dma_semaphore, #tpu.memory_space<semaphore_mem>>) src(%arg9 : memref<64x128xf32, #tpu.memory_space<vmem>>) dst(%dma_wait3A_65 : memref<64x128xf32, #tpu.memory_space<vmem_shared>>)
      tpu.yield
    }) : () -> ()
    %mul3A_24 = arith.constant 640 : i32
    %mul3A_25 = arith.muli %arg1, %mul3A_24 : i32
    %add3A_26 = arith.constant 256 : i32
    %add3A_27 = arith.addi %mul3A_25, %add3A_26 : i32
    "tpu.region"() ({
      %run_scoped3A = tpu.sem_alloc : memref<!tpu.dma_semaphore, #tpu.memory_space<semaphore_mem>>
      %dma_start3A = arith.constant 0 : i32
      %dma_start3A_60 = tpu.memref_slice %arg10[%add3A_27, %dma_start3A] : memref<10240x128xf32, #tpu.memory_space<vmem_shared>> -> memref<64x128xf32, #tpu.memory_space<vmem_shared>>
      %dma_start3A_61 = arith.constant 0 : i32
      %dma_start3A_62 = tpu.memref_slice %arg10[%add3A_27, %dma_start3A_61] : memref<10240x128xf32, #tpu.memory_space<vmem_shared>> -> memref<64x128xf32, #tpu.memory_space<vmem_shared>>
      tpu.enqueue_dma source(%arg9 : memref<64x128xf32, #tpu.memory_space<vmem>>) target(%dma_start3A_62 : memref<64x128xf32, #tpu.memory_space<vmem_shared>>) target_semaphore(%run_scoped3A : memref<!tpu.dma_semaphore, #tpu.memory_space<semaphore_mem>>)
      %dma_wait3A = arith.constant 0 : i32
      %dma_wait3A_63 = tpu.memref_slice %arg10[%add3A_27, %dma_wait3A] : memref<10240x128xf32, #tpu.memory_space<vmem_shared>> -> memref<64x128xf32, #tpu.memory_space<vmem_shared>>
      %dma_wait3A_64 = arith.constant 0 : i32
      %dma_wait3A_65 = tpu.memref_slice %arg10[%add3A_27, %dma_wait3A_64] : memref<10240x128xf32, #tpu.memory_space<vmem_shared>> -> memref<64x128xf32, #tpu.memory_space<vmem_shared>>
      tpu.wait_dma2 semaphore(%run_scoped3A : memref<!tpu.dma_semaphore, #tpu.memory_space<semaphore_mem>>) src(%arg9 : memref<64x128xf32, #tpu.memory_space<vmem>>) dst(%dma_wait3A_65 : memref<64x128xf32, #tpu.memory_space<vmem_shared>>)
      tpu.yield
    }) : () -> ()
    %mul3A_28 = arith.constant 640 : i32
    %mul3A_29 = arith.muli %arg1, %mul3A_28 : i32
    %add3A_30 = arith.constant 320 : i32
    %add3A_31 = arith.addi %mul3A_29, %add3A_30 : i32
    "tpu.region"() ({
      %run_scoped3A = tpu.sem_alloc : memref<!tpu.dma_semaphore, #tpu.memory_space<semaphore_mem>>
      %dma_start3A = arith.constant 0 : i32
      %dma_start3A_60 = tpu.memref_slice %arg10[%add3A_31, %dma_start3A] : memref<10240x128xf32, #tpu.memory_space<vmem_shared>> -> memref<64x128xf32, #tpu.memory_space<vmem_shared>>
      %dma_start3A_61 = arith.constant 0 : i32
      %dma_start3A_62 = tpu.memref_slice %arg10[%add3A_31, %dma_start3A_61] : memref<10240x128xf32, #tpu.memory_space<vmem_shared>> -> memref<64x128xf32, #tpu.memory_space<vmem_shared>>
      tpu.enqueue_dma source(%arg9 : memref<64x128xf32, #tpu.memory_space<vmem>>) target(%dma_start3A_62 : memref<64x128xf32, #tpu.memory_space<vmem_shared>>) target_semaphore(%run_scoped3A : memref<!tpu.dma_semaphore, #tpu.memory_space<semaphore_mem>>)
      %dma_wait3A = arith.constant 0 : i32
      %dma_wait3A_63 = tpu.memref_slice %arg10[%add3A_31, %dma_wait3A] : memref<10240x128xf32, #tpu.memory_space<vmem_shared>> -> memref<64x128xf32, #tpu.memory_space<vmem_shared>>
      %dma_wait3A_64 = arith.constant 0 : i32
      %dma_wait3A_65 = tpu.memref_slice %arg10[%add3A_31, %dma_wait3A_64] : memref<10240x128xf32, #tpu.memory_space<vmem_shared>> -> memref<64x128xf32, #tpu.memory_space<vmem_shared>>
      tpu.wait_dma2 semaphore(%run_scoped3A : memref<!tpu.dma_semaphore, #tpu.memory_space<semaphore_mem>>) src(%arg9 : memref<64x128xf32, #tpu.memory_space<vmem>>) dst(%dma_wait3A_65 : memref<64x128xf32, #tpu.memory_space<vmem_shared>>)
      tpu.yield
    }) : () -> ()
    %mul3A_32 = arith.constant 640 : i32
    %mul3A_33 = arith.muli %arg1, %mul3A_32 : i32
    %add3A_34 = arith.constant 384 : i32
    %add3A_35 = arith.addi %mul3A_33, %add3A_34 : i32
    "tpu.region"() ({
      %run_scoped3A = tpu.sem_alloc : memref<!tpu.dma_semaphore, #tpu.memory_space<semaphore_mem>>
      %dma_start3A = arith.constant 0 : i32
      %dma_start3A_60 = tpu.memref_slice %arg10[%add3A_35, %dma_start3A] : memref<10240x128xf32, #tpu.memory_space<vmem_shared>> -> memref<64x128xf32, #tpu.memory_space<vmem_shared>>
      %dma_start3A_61 = arith.constant 0 : i32
      %dma_start3A_62 = tpu.memref_slice %arg10[%add3A_35, %dma_start3A_61] : memref<10240x128xf32, #tpu.memory_space<vmem_shared>> -> memref<64x128xf32, #tpu.memory_space<vmem_shared>>
      tpu.enqueue_dma source(%arg9 : memref<64x128xf32, #tpu.memory_space<vmem>>) target(%dma_start3A_62 : memref<64x128xf32, #tpu.memory_space<vmem_shared>>) target_semaphore(%run_scoped3A : memref<!tpu.dma_semaphore, #tpu.memory_space<semaphore_mem>>)
      %dma_wait3A = arith.constant 0 : i32
      %dma_wait3A_63 = tpu.memref_slice %arg10[%add3A_35, %dma_wait3A] : memref<10240x128xf32, #tpu.memory_space<vmem_shared>> -> memref<64x128xf32, #tpu.memory_space<vmem_shared>>
      %dma_wait3A_64 = arith.constant 0 : i32
      %dma_wait3A_65 = tpu.memref_slice %arg10[%add3A_35, %dma_wait3A_64] : memref<10240x128xf32, #tpu.memory_space<vmem_shared>> -> memref<64x128xf32, #tpu.memory_space<vmem_shared>>
      tpu.wait_dma2 semaphore(%run_scoped3A : memref<!tpu.dma_semaphore, #tpu.memory_space<semaphore_mem>>) src(%arg9 : memref<64x128xf32, #tpu.memory_space<vmem>>) dst(%dma_wait3A_65 : memref<64x128xf32, #tpu.memory_space<vmem_shared>>)
      tpu.yield
    }) : () -> ()
    %mul3A_36 = arith.constant 640 : i32
    %mul3A_37 = arith.muli %arg1, %mul3A_36 : i32
    %add3A_38 = arith.constant 448 : i32
    %add3A_39 = arith.addi %mul3A_37, %add3A_38 : i32
    "tpu.region"() ({
      %run_scoped3A = tpu.sem_alloc : memref<!tpu.dma_semaphore, #tpu.memory_space<semaphore_mem>>
      %dma_start3A = arith.constant 0 : i32
      %dma_start3A_60 = tpu.memref_slice %arg10[%add3A_39, %dma_start3A] : memref<10240x128xf32, #tpu.memory_space<vmem_shared>> -> memref<64x128xf32, #tpu.memory_space<vmem_shared>>
      %dma_start3A_61 = arith.constant 0 : i32
      %dma_start3A_62 = tpu.memref_slice %arg10[%add3A_39, %dma_start3A_61] : memref<10240x128xf32, #tpu.memory_space<vmem_shared>> -> memref<64x128xf32, #tpu.memory_space<vmem_shared>>
      tpu.enqueue_dma source(%arg9 : memref<64x128xf32, #tpu.memory_space<vmem>>) target(%dma_start3A_62 : memref<64x128xf32, #tpu.memory_space<vmem_shared>>) target_semaphore(%run_scoped3A : memref<!tpu.dma_semaphore, #tpu.memory_space<semaphore_mem>>)
      %dma_wait3A = arith.constant 0 : i32
      %dma_wait3A_63 = tpu.memref_slice %arg10[%add3A_39, %dma_wait3A] : memref<10240x128xf32, #tpu.memory_space<vmem_shared>> -> memref<64x128xf32, #tpu.memory_space<vmem_shared>>
      %dma_wait3A_64 = arith.constant 0 : i32
      %dma_wait3A_65 = tpu.memref_slice %arg10[%add3A_39, %dma_wait3A_64] : memref<10240x128xf32, #tpu.memory_space<vmem_shared>> -> memref<64x128xf32, #tpu.memory_space<vmem_shared>>
      tpu.wait_dma2 semaphore(%run_scoped3A : memref<!tpu.dma_semaphore, #tpu.memory_space<semaphore_mem>>) src(%arg9 : memref<64x128xf32, #tpu.memory_space<vmem>>) dst(%dma_wait3A_65 : memref<64x128xf32, #tpu.memory_space<vmem_shared>>)
      tpu.yield
    }) : () -> ()
    %mul3A_40 = arith.constant 640 : i32
    %mul3A_41 = arith.muli %arg1, %mul3A_40 : i32
    %add3A_42 = arith.constant 512 : i32
    %add3A_43 = arith.addi %mul3A_41, %add3A_42 : i32
    "tpu.region"() ({
      %run_scoped3A = tpu.sem_alloc : memref<!tpu.dma_semaphore, #tpu.memory_space<semaphore_mem>>
      %dma_start3A = arith.constant 0 : i32
      %dma_start3A_60 = tpu.memref_slice %arg10[%add3A_43, %dma_start3A] : memref<10240x128xf32, #tpu.memory_space<vmem_shared>> -> memref<64x128xf32, #tpu.memory_space<vmem_shared>>
      %dma_start3A_61 = arith.constant 0 : i32
      %dma_start3A_62 = tpu.memref_slice %arg10[%add3A_43, %dma_start3A_61] : memref<10240x128xf32, #tpu.memory_space<vmem_shared>> -> memref<64x128xf32, #tpu.memory_space<vmem_shared>>
      tpu.enqueue_dma source(%arg9 : memref<64x128xf32, #tpu.memory_space<vmem>>) target(%dma_start3A_62 : memref<64x128xf32, #tpu.memory_space<vmem_shared>>) target_semaphore(%run_scoped3A : memref<!tpu.dma_semaphore, #tpu.memory_space<semaphore_mem>>)
      %dma_wait3A = arith.constant 0 : i32
      %dma_wait3A_63 = tpu.memref_slice %arg10[%add3A_43, %dma_wait3A] : memref<10240x128xf32, #tpu.memory_space<vmem_shared>> -> memref<64x128xf32, #tpu.memory_space<vmem_shared>>
      %dma_wait3A_64 = arith.constant 0 : i32
      %dma_wait3A_65 = tpu.memref_slice %arg10[%add3A_43, %dma_wait3A_64] : memref<10240x128xf32, #tpu.memory_space<vmem_shared>> -> memref<64x128xf32, #tpu.memory_space<vmem_shared>>
      tpu.wait_dma2 semaphore(%run_scoped3A : memref<!tpu.dma_semaphore, #tpu.memory_space<semaphore_mem>>) src(%arg9 : memref<64x128xf32, #tpu.memory_space<vmem>>) dst(%dma_wait3A_65 : memref<64x128xf32, #tpu.memory_space<vmem_shared>>)
      tpu.yield
    }) : () -> ()
    %mul3A_44 = arith.constant 640 : i32
    %mul3A_45 = arith.muli %arg1, %mul3A_44 : i32
    %add3A_46 = arith.constant 576 : i32
    %add3A_47 = arith.addi %mul3A_45, %add3A_46 : i32
    "tpu.region"() ({
      %run_scoped3A = tpu.sem_alloc : memref<!tpu.dma_semaphore, #tpu.memory_space<semaphore_mem>>
      %dma_start3A = arith.constant 0 : i32
      %dma_start3A_60 = tpu.memref_slice %arg10[%add3A_47, %dma_start3A] : memref<10240x128xf32, #tpu.memory_space<vmem_shared>> -> memref<64x128xf32, #tpu.memory_space<vmem_shared>>
      %dma_start3A_61 = arith.constant 0 : i32
      %dma_start3A_62 = tpu.memref_slice %arg10[%add3A_47, %dma_start3A_61] : memref<10240x128xf32, #tpu.memory_space<vmem_shared>> -> memref<64x128xf32, #tpu.memory_space<vmem_shared>>
      tpu.enqueue_dma source(%arg9 : memref<64x128xf32, #tpu.memory_space<vmem>>) target(%dma_start3A_62 : memref<64x128xf32, #tpu.memory_space<vmem_shared>>) target_semaphore(%run_scoped3A : memref<!tpu.dma_semaphore, #tpu.memory_space<semaphore_mem>>)
      %dma_wait3A = arith.constant 0 : i32
      %dma_wait3A_63 = tpu.memref_slice %arg10[%add3A_47, %dma_wait3A] : memref<10240x128xf32, #tpu.memory_space<vmem_shared>> -> memref<64x128xf32, #tpu.memory_space<vmem_shared>>
      %dma_wait3A_64 = arith.constant 0 : i32
      %dma_wait3A_65 = tpu.memref_slice %arg10[%add3A_47, %dma_wait3A_64] : memref<10240x128xf32, #tpu.memory_space<vmem_shared>> -> memref<64x128xf32, #tpu.memory_space<vmem_shared>>
      tpu.wait_dma2 semaphore(%run_scoped3A : memref<!tpu.dma_semaphore, #tpu.memory_space<semaphore_mem>>) src(%arg9 : memref<64x128xf32, #tpu.memory_space<vmem>>) dst(%dma_wait3A_65 : memref<64x128xf32, #tpu.memory_space<vmem_shared>>)
      tpu.yield
    }) : () -> ()
    %barrier3A = arith.constant 0 : index
    tpu.barrier barrier_id(%barrier3A)
    %scan3A_48 = arith.constant 0 : i32
    %scan3A_49 = arith.constant 0 : i32
    %scan3A_50 = arith.constant 79 : i32
    %scan3A_51 = arith.addi %scan3A_49, %scan3A_50 : i32
    %scan3A_52 = arith.constant 1 : i32
    %scan3A_53 = scf.for %scan3A_60 = %scan3A_49 to %scan3A_51 step %scan3A_52 iter_args(%scan3A_61 = %scan3A_48) -> (i32)  : i32 {
      %mul3A_62 = arith.constant 79 : i32
      %mul3A_63 = arith.muli %add3A, %mul3A_62 : i32
      %add3A_64 = arith.addi %mul3A_63, %scan3A_60 : i32
      %mul3A_65 = arith.constant 128 : i32
      %mul3A_66 = arith.muli %add3A_64, %mul3A_65 : i32
      "tpu.region"() ({
        %run_scoped3A = tpu.sem_alloc : memref<!tpu.dma_semaphore, #tpu.memory_space<semaphore_mem>>
        %dma_start3A_72 = tpu.memref_slice %arg3[%mul3A_66] : memref<323584xi32, #tpu.memory_space<hbm>> -> memref<128xi32, #tpu.memory_space<hbm>>
        %dma_start3A_73 = tpu.memref_slice %arg3[%mul3A_66] : memref<323584xi32, #tpu.memory_space<hbm>> -> memref<128xi32, #tpu.memory_space<hbm>>
        tpu.enqueue_dma source(%dma_start3A_73 : memref<128xi32, #tpu.memory_space<hbm>>) target(%arg6 : memref<128xi32, #tpu.memory_space<vmem>>) target_semaphore(%run_scoped3A : memref<!tpu.dma_semaphore, #tpu.memory_space<semaphore_mem>>)
        %dma_wait3A_74 = tpu.memref_slice %arg3[%mul3A_66] : memref<323584xi32, #tpu.memory_space<hbm>> -> memref<128xi32, #tpu.memory_space<hbm>>
        %dma_wait3A_75 = tpu.memref_slice %arg3[%mul3A_66] : memref<323584xi32, #tpu.memory_space<hbm>> -> memref<128xi32, #tpu.memory_space<hbm>>
        tpu.wait_dma2 semaphore(%run_scoped3A : memref<!tpu.dma_semaphore, #tpu.memory_space<semaphore_mem>>) src(%dma_wait3A_75 : memref<128xi32, #tpu.memory_space<hbm>>) dst(%arg6 : memref<128xi32, #tpu.memory_space<vmem>>)
        tpu.yield
      }) : () -> ()
      "tpu.region"() ({
        %run_scoped3A = tpu.sem_alloc : memref<!tpu.dma_semaphore, #tpu.memory_space<semaphore_mem>>
        %dma_start3A_72 = tpu.memref_slice %arg4[%mul3A_66] : memref<323584xi32, #tpu.memory_space<hbm>> -> memref<128xi32, #tpu.memory_space<hbm>>
        %dma_start3A_73 = tpu.memref_slice %arg4[%mul3A_66] : memref<323584xi32, #tpu.memory_space<hbm>> -> memref<128xi32, #tpu.memory_space<hbm>>
        tpu.enqueue_dma source(%dma_start3A_73 : memref<128xi32, #tpu.memory_space<hbm>>) target(%arg7 : memref<128xi32, #tpu.memory_space<vmem>>) target_semaphore(%run_scoped3A : memref<!tpu.dma_semaphore, #tpu.memory_space<semaphore_mem>>)
        %dma_wait3A_74 = tpu.memref_slice %arg4[%mul3A_66] : memref<323584xi32, #tpu.memory_space<hbm>> -> memref<128xi32, #tpu.memory_space<hbm>>
        %dma_wait3A_75 = tpu.memref_slice %arg4[%mul3A_66] : memref<323584xi32, #tpu.memory_space<hbm>> -> memref<128xi32, #tpu.memory_space<hbm>>
        tpu.wait_dma2 semaphore(%run_scoped3A : memref<!tpu.dma_semaphore, #tpu.memory_space<semaphore_mem>>) src(%dma_wait3A_75 : memref<128xi32, #tpu.memory_space<hbm>>) dst(%arg7 : memref<128xi32, #tpu.memory_space<vmem>>)
        tpu.yield
      }) : () -> ()
      %dma_start3A = arith.constant 0 : i32
      %dma_start3A_67 = arith.constant 0 : i32
      %dma_start3A_68 = tpu.memref_slice %arg2[%dma_start3A, %dma_start3A_67] : memref<10240x128xf32, #tpu.memory_space<hbm>> -> memref<10240x128xf32, #tpu.memory_space<hbm>>
      tpu.enqueue_indirect_dma source(%dma_start3A_68 : memref<10240x128xf32, #tpu.memory_space<hbm>>) target(%arg8 : memref<128x128xf32, #tpu.memory_space<vmem>>) offsets(%arg6 : memref<128xi32, #tpu.memory_space<vmem>>) semaphore(%arg11 : memref<!tpu.dma_semaphore, #tpu.memory_space<semaphore_mem>>)
      %dma_wait3A = arith.constant 0 : i32
      %dma_wait3A_69 = arith.constant 0 : i32
      %dma_wait3A_70 = tpu.memref_slice %arg2[%dma_wait3A, %dma_wait3A_69] : memref<10240x128xf32, #tpu.memory_space<hbm>> -> memref<10240x128xf32, #tpu.memory_space<hbm>>
      tpu.wait_indirect_dma semaphore(%arg11 : memref<!tpu.dma_semaphore, #tpu.memory_space<semaphore_mem>>) src(%dma_wait3A_70 : memref<10240x128xf32, #tpu.memory_space<hbm>>) dst(%arg8 : memref<128x128xf32, #tpu.memory_space<vmem>>)
      "tpu.region"() ({
        %run_scoped3A = tpu.sem_alloc : memref<!tpu.dma_semaphore, #tpu.memory_space<semaphore_mem>>
        %dma_start3A_72 = arith.constant 0 : i32
        %dma_start3A_73 = arith.constant 0 : i32
        %dma_start3A_74 = tpu.memref_slice %arg10[%dma_start3A_72, %dma_start3A_73] : memref<10240x128xf32, #tpu.memory_space<vmem_shared>> -> memref<10240x128xf32, #tpu.memory_space<vmem_shared>>
        tpu.enqueue_indirect_dma source(%arg8 : memref<128x128xf32, #tpu.memory_space<vmem>>) target(%dma_start3A_74 : memref<10240x128xf32, #tpu.memory_space<vmem_shared>>) offsets(%arg7 : memref<128xi32, #tpu.memory_space<vmem>>) semaphore(%run_scoped3A : memref<!tpu.dma_semaphore, #tpu.memory_space<semaphore_mem>>) {add = true}
        %dma_wait3A_75 = arith.constant 0 : i32
        %dma_wait3A_76 = arith.constant 0 : i32
        %dma_wait3A_77 = tpu.memref_slice %arg10[%dma_wait3A_75, %dma_wait3A_76] : memref<10240x128xf32, #tpu.memory_space<vmem_shared>> -> memref<10240x128xf32, #tpu.memory_space<vmem_shared>>
        tpu.wait_indirect_dma semaphore(%run_scoped3A : memref<!tpu.dma_semaphore, #tpu.memory_space<semaphore_mem>>) src(%arg8 : memref<128x128xf32, #tpu.memory_space<vmem>>) dst(%dma_wait3A_77 : memref<10240x128xf32, #tpu.memory_space<vmem_shared>>)
        tpu.yield
      }) : () -> ()
      %scan3A_71 = arith.constant 0 : i32
      scf.yield %scan3A_71 : i32
    }
    %scan3A_54 = arith.constant 79 : i32
    %barrier3A_55 = arith.constant 0 : index
    tpu.barrier barrier_id(%barrier3A_55)
    %mul3A_56 = arith.constant 640 : i32
    %mul3A_57 = arith.muli %arg1, %mul3A_56 : i32
    %mul3A_58 = arith.constant 640 : i32
    %mul3A_59 = arith.muli %arg1, %mul3A_58 : i32
    "tpu.region"() ({
      %run_scoped3A = tpu.sem_alloc : memref<!tpu.dma_semaphore, #tpu.memory_space<semaphore_mem>>
      %dma_start3A = arith.constant 0 : i32
      %dma_start3A_60 = tpu.memref_slice %arg5[%arg0, %mul3A_59, %dma_start3A] : memref<2x10240x128xf32, #tpu.memory_space<hbm>> -> memref<1x640x128xf32, #tpu.memory_space<hbm>>
      %dma_start3A_61 = tpu.memref_squeeze %dma_start3A_60 : memref<1x640x128xf32, #tpu.memory_space<hbm>> -> memref<640x128xf32, #tpu.memory_space<hbm>>
      %dma_start3A_62 = arith.constant 0 : i32
      %dma_start3A_63 = tpu.memref_slice %arg10[%mul3A_57, %dma_start3A_62] : memref<10240x128xf32, #tpu.memory_space<vmem_shared>> -> memref<640x128xf32, #tpu.memory_space<vmem_shared>>
      tpu.enqueue_dma source(%dma_start3A_63 : memref<640x128xf32, #tpu.memory_space<vmem_shared>>) target(%dma_start3A_61 : memref<640x128xf32, #tpu.memory_space<hbm>>) target_semaphore(%run_scoped3A : memref<!tpu.dma_semaphore, #tpu.memory_space<semaphore_mem>>)
      %dma_wait3A = arith.constant 0 : i32
      %dma_wait3A_64 = tpu.memref_slice %arg5[%arg0, %mul3A_59, %dma_wait3A] : memref<2x10240x128xf32, #tpu.memory_space<hbm>> -> memref<1x640x128xf32, #tpu.memory_space<hbm>>
      %dma_wait3A_65 = tpu.memref_squeeze %dma_wait3A_64 : memref<1x640x128xf32, #tpu.memory_space<hbm>> -> memref<640x128xf32, #tpu.memory_space<hbm>>
      %dma_wait3A_66 = arith.constant 0 : i32
      %dma_wait3A_67 = tpu.memref_slice %arg10[%mul3A_57, %dma_wait3A_66] : memref<10240x128xf32, #tpu.memory_space<vmem_shared>> -> memref<640x128xf32, #tpu.memory_space<vmem_shared>>
      tpu.wait_dma2 semaphore(%run_scoped3A : memref<!tpu.dma_semaphore, #tpu.memory_space<semaphore_mem>>) src(%dma_wait3A_67 : memref<640x128xf32, #tpu.memory_space<vmem_shared>>) dst(%dma_wait3A_65 : memref<640x128xf32, #tpu.memory_space<hbm>>)
      tpu.yield
    }) : () -> ()
    return
  }
}

module attributes {stable_mosaic.version = 14 : i64} {
  func.func @_prep_body(%arg0: i32, %arg1: memref<2x1024x16xf32, #tpu.memory_space<vmem>>, %arg2: memref<1024x128xf32, #tpu.memory_space<vmem>>, %arg3: memref<128x128xf32, #tpu.memory_space<vmem>>, %arg4: memref<1024x128xf32, #tpu.memory_space<vmem>>, %arg5: memref<1024x1xf32, #tpu.memory_space<vmem>>) attributes {dimension_semantics = [#tpu.dimension_semantics<arbitrary>], iteration_bounds = array<i64: 10>, scalar_prefetch = 0 : i64, scratch_operands = 0 : i64, tpu.core_type = #tpu.core_type<tc>, window_params = [{transform_indices = @transform_0, window_bounds = array<i64: 2, 1024, 16>}, {transform_indices = @transform_1, window_bounds = array<i64: 1024, 128>}, {pipeline_mode = #tpu.pipeline_mode<synchronous>, transform_indices = @transform_2, window_bounds = array<i64: 128, 128>}, {transform_indices = @transform_3, window_bounds = array<i64: 1024, 128>}, {transform_indices = @transform_4, window_bounds = array<i64: 1024, 1>}]} {
    %get3A = arith.constant 0 : index
    %get3A_0 = arith.constant 0 : index
    %get3A_1 = arith.constant 0 : index
    %get3A_2 = vector.load %arg1[%get3A, %get3A_0, %get3A_1] : memref<2x1024x16xf32, #tpu.memory_space<vmem>>, vector<2x1024x16xf32>
    %reduce_sum3A = arith.constant dense<0.000000e+00> : vector<1024xf32>
    %reduce_sum3A_3 = vector.multi_reduction <add>, %get3A_2, %reduce_sum3A [0, 2] : vector<2x1024x16xf32> to vector<1024xf32>
    %add3A = arith.constant 1.000000e+00 : f32
    %add3A_4 = vector.broadcast %add3A : f32 to vector<1024xf32>
    %add3A_5 = arith.addf %reduce_sum3A_3, %add3A_4 : vector<1024xf32>
    %rsqrt3A = math.rsqrt %add3A_5 : vector<1024xf32>
    %get3A_6 = arith.constant 0 : index
    %get3A_7 = arith.constant 0 : index
    %get3A_8 = vector.load %arg2[%get3A_6, %get3A_7] : memref<1024x128xf32, #tpu.memory_space<vmem>>, vector<1024x128xf32>
    %get3A_9 = arith.constant 0 : index
    %get3A_10 = arith.constant 0 : index
    %get3A_11 = vector.load %arg3[%get3A_9, %get3A_10] : memref<128x128xf32, #tpu.memory_space<vmem>>, vector<128x128xf32>
    %dot_general3A = arith.constant dense<0.000000e+00> : vector<1024x128xf32>
    %dot_general3A_12 = tpu.matmul %get3A_8, %get3A_11, %dot_general3A {dimension_numbers = #tpu.dot_dimension_numbers<[1], [0], [0], [1], [0, 0, 1, 1], [], []>, transpose_lhs_hint = false} : vector<1024x128xf32>, vector<128x128xf32>, vector<1024x128xf32> -> vector<1024x128xf32>
    %broadcast_in_dim3A = vector.shape_cast %rsqrt3A : vector<1024xf32> to vector<1024x1xf32>
    %mul3A = vector.broadcast %broadcast_in_dim3A : vector<1024x1xf32> to vector<1024x128xf32>
    %mul3A_13 = arith.mulf %mul3A, %dot_general3A_12 : vector<1024x128xf32>
    %swap3A = arith.constant 0 : index
    %swap3A_14 = arith.constant 0 : index
    %swap3A_15 = vector.load %arg4[%swap3A, %swap3A_14] : memref<1024x128xf32, #tpu.memory_space<vmem>>, vector<1024x128xf32>
    tpu.vector_store %arg4[%swap3A, %swap3A_14], %mul3A_13 {strides = array<i32>} : memref<1024x128xf32, #tpu.memory_space<vmem>>, vector<1024x128xf32>,
    %broadcast_in_dim3A_16 = vector.shape_cast %rsqrt3A : vector<1024xf32> to vector<1024x1xf32>
    %swap3A_17 = arith.constant 0 : index
    %swap3A_18 = arith.constant 0 : index
    %swap3A_19 = vector.load %arg5[%swap3A_17, %swap3A_18] : memref<1024x1xf32, #tpu.memory_space<vmem>>, vector<1024x1xf32>
    tpu.vector_store %arg5[%swap3A_17, %swap3A_18], %broadcast_in_dim3A_16 {strides = array<i32>} : memref<1024x1xf32, #tpu.memory_space<vmem>>, vector<1024x1xf32>,
    return
  }
  func.func @transform_0(%arg0: i32) -> (i32, i32, i32) {
    %c0_i32 = arith.constant 0 : i32
    %c0_i32_0 = arith.constant 0 : i32
    %c0_i32_1 = arith.constant 0 : i32
    return %c0_i32, %arg0, %c0_i32_0 : i32, i32, i32
  }
  func.func @transform_1(%arg0: i32) -> (i32, i32) {
    %c0_i32 = arith.constant 0 : i32
    %c0_i32_0 = arith.constant 0 : i32
    return %arg0, %c0_i32 : i32, i32
  }
  func.func @transform_2(%arg0: i32) -> (i32, i32) {
    %c0_i32 = arith.constant 0 : i32
    %c0_i32_0 = arith.constant 0 : i32
    %c0_i32_1 = arith.constant 0 : i32
    return %c0_i32, %c0_i32_0 : i32, i32
  }
  func.func @transform_3(%arg0: i32) -> (i32, i32) {
    %c0_i32 = arith.constant 0 : i32
    %c0_i32_0 = arith.constant 0 : i32
    return %arg0, %c0_i32 : i32, i32
  }
  func.func @transform_4(%arg0: i32) -> (i32, i32) {
    %c0_i32 = arith.constant 0 : i32
    %c0_i32_0 = arith.constant 0 : i32
    return %arg0, %c0_i32 : i32, i32
  }
}

module attributes {stable_mosaic.version = 14 : i64} {
  func.func @_mid_body(%arg0: i32, %arg1: memref<2x1024x128xf32, #tpu.memory_space<vmem>>, %arg2: memref<1024x128xf32, #tpu.memory_space<vmem>>, %arg3: memref<1024x1xf32, #tpu.memory_space<vmem>>, %arg4: memref<1x128xf32, #tpu.memory_space<vmem>>, %arg5: memref<128x128xf32, #tpu.memory_space<vmem>>, %arg6: memref<1024x128xf32, #tpu.memory_space<vmem>>) attributes {dimension_semantics = [#tpu.dimension_semantics<arbitrary>], iteration_bounds = array<i64: 10>, scalar_prefetch = 0 : i64, scratch_operands = 0 : i64, tpu.core_type = #tpu.core_type<tc>, window_params = [{transform_indices = @transform_0, window_bounds = array<i64: 2, 1024, 128>}, {transform_indices = @transform_1, window_bounds = array<i64: 1024, 128>}, {transform_indices = @transform_2, window_bounds = array<i64: 1024, 1>}, {pipeline_mode = #tpu.pipeline_mode<synchronous>, transform_indices = @transform_3, window_bounds = array<i64: 1, 128>}, {pipeline_mode = #tpu.pipeline_mode<synchronous>, transform_indices = @transform_4, window_bounds = array<i64: 128, 128>}, {transform_indices = @transform_5, window_bounds = array<i64: 1024, 128>}]} {
    %get3A = arith.constant 0 : index
    %get3A_0 = arith.constant 0 : index
    %get3A_1 = vector.load %arg3[%get3A, %get3A_0] : memref<1024x1xf32, #tpu.memory_space<vmem>>, vector<1024x1xf32>
    %get3A_2 = arith.constant 0 : index
    %get3A_3 = arith.constant 0 : index
    %get3A_4 = arith.constant 0 : index
    %get3A_5 = vector.load %arg1[%get3A_2, %get3A_3, %get3A_4] : memref<2x1024x128xf32, #tpu.memory_space<vmem>>, vector<1x1024x128xf32>
    %get3A_6 = vector.shape_cast %get3A_5 : vector<1x1024x128xf32> to vector<1024x128xf32>
    %get3A_7 = arith.constant 1 : index
    %get3A_8 = arith.constant 0 : index
    %get3A_9 = arith.constant 0 : index
    %get3A_10 = vector.load %arg1[%get3A_7, %get3A_8, %get3A_9] : memref<2x1024x128xf32, #tpu.memory_space<vmem>>, vector<1x1024x128xf32>
    %get3A_11 = vector.shape_cast %get3A_10 : vector<1x1024x128xf32> to vector<1024x128xf32>
    %add3A = arith.addf %get3A_6, %get3A_11 : vector<1024x128xf32>
    %get3A_12 = arith.constant 0 : index
    %get3A_13 = arith.constant 0 : index
    %get3A_14 = vector.load %arg2[%get3A_12, %get3A_13] : memref<1024x128xf32, #tpu.memory_space<vmem>>, vector<1024x128xf32>
    %add3A_15 = arith.addf %add3A, %get3A_14 : vector<1024x128xf32>
    %mul3A = vector.broadcast %get3A_1 : vector<1024x1xf32> to vector<1024x128xf32>
    %mul3A_16 = arith.mulf %mul3A, %add3A_15 : vector<1024x128xf32>
    %get3A_17 = arith.constant 0 : index
    %get3A_18 = arith.constant 0 : index
    %get3A_19 = vector.load %arg4[%get3A_17, %get3A_18] : memref<1x128xf32, #tpu.memory_space<vmem>>, vector<1x128xf32>
    %add3A_20 = vector.broadcast %get3A_19 : vector<1x128xf32> to vector<1024x128xf32>
    %add3A_21 = arith.addf %mul3A_16, %add3A_20 : vector<1024x128xf32>
    %max3A = arith.constant 0.000000e+00 : f32
    %max3A_22 = vector.broadcast %max3A : f32 to vector<1024x128xf32>
    %max3A_23 = arith.maximumf %add3A_21, %max3A_22 : vector<1024x128xf32>
    %get3A_24 = arith.constant 0 : index
    %get3A_25 = arith.constant 0 : index
    %get3A_26 = vector.load %arg5[%get3A_24, %get3A_25] : memref<128x128xf32, #tpu.memory_space<vmem>>, vector<128x128xf32>
    %dot_general3A = arith.constant dense<0.000000e+00> : vector<1024x128xf32>
    %dot_general3A_27 = tpu.matmul %max3A_23, %get3A_26, %dot_general3A {dimension_numbers = #tpu.dot_dimension_numbers<[1], [0], [0], [1], [0, 0, 1, 1], [], []>, transpose_lhs_hint = false} : vector<1024x128xf32>, vector<128x128xf32>, vector<1024x128xf32> -> vector<1024x128xf32>
    %mul3A_28 = vector.broadcast %get3A_1 : vector<1024x1xf32> to vector<1024x128xf32>
    %mul3A_29 = arith.mulf %mul3A_28, %dot_general3A_27 : vector<1024x128xf32>
    %swap3A = arith.constant 0 : index
    %swap3A_30 = arith.constant 0 : index
    %swap3A_31 = vector.load %arg6[%swap3A, %swap3A_30] : memref<1024x128xf32, #tpu.memory_space<vmem>>, vector<1024x128xf32>
    tpu.vector_store %arg6[%swap3A, %swap3A_30], %mul3A_29 {strides = array<i32>} : memref<1024x128xf32, #tpu.memory_space<vmem>>, vector<1024x128xf32>,
    return
  }
  func.func @transform_0(%arg0: i32) -> (i32, i32, i32) {
    %c0_i32 = arith.constant 0 : i32
    %c0_i32_0 = arith.constant 0 : i32
    %c0_i32_1 = arith.constant 0 : i32
    return %c0_i32, %arg0, %c0_i32_0 : i32, i32, i32
  }
  func.func @transform_1(%arg0: i32) -> (i32, i32) {
    %c0_i32 = arith.constant 0 : i32
    %c0_i32_0 = arith.constant 0 : i32
    return %arg0, %c0_i32 : i32, i32
  }
  func.func @transform_2(%arg0: i32) -> (i32, i32) {
    %c0_i32 = arith.constant 0 : i32
    %c0_i32_0 = arith.constant 0 : i32
    return %arg0, %c0_i32 : i32, i32
  }
  func.func @transform_3(%arg0: i32) -> (i32, i32) {
    %c0_i32 = arith.constant 0 : i32
    %c0_i32_0 = arith.constant 0 : i32
    %c0_i32_1 = arith.constant 0 : i32
    return %c0_i32, %c0_i32_0 : i32, i32
  }
  func.func @transform_4(%arg0: i32) -> (i32, i32) {
    %c0_i32 = arith.constant 0 : i32
    %c0_i32_0 = arith.constant 0 : i32
    %c0_i32_1 = arith.constant 0 : i32
    return %c0_i32, %c0_i32_0 : i32, i32
  }
  func.func @transform_5(%arg0: i32) -> (i32, i32) {
    %c0_i32 = arith.constant 0 : i32
    %c0_i32_0 = arith.constant 0 : i32
    return %arg0, %c0_i32 : i32, i32
  }
}

module attributes {stable_mosaic.version = 14 : i64} {
  func.func @_fin_body(%arg0: i32, %arg1: memref<2x1024x128xf32, #tpu.memory_space<vmem>>, %arg2: memref<1024x128xf32, #tpu.memory_space<vmem>>, %arg3: memref<1024x1xf32, #tpu.memory_space<vmem>>, %arg4: memref<1x128xf32, #tpu.memory_space<vmem>>, %arg5: memref<1024x128xf32, #tpu.memory_space<vmem>>) attributes {dimension_semantics = [#tpu.dimension_semantics<arbitrary>], iteration_bounds = array<i64: 10>, scalar_prefetch = 0 : i64, scratch_operands = 0 : i64, tpu.core_type = #tpu.core_type<tc>, window_params = [{transform_indices = @transform_0, window_bounds = array<i64: 2, 1024, 128>}, {transform_indices = @transform_1, window_bounds = array<i64: 1024, 128>}, {transform_indices = @transform_2, window_bounds = array<i64: 1024, 1>}, {pipeline_mode = #tpu.pipeline_mode<synchronous>, transform_indices = @transform_3, window_bounds = array<i64: 1, 128>}, {transform_indices = @transform_4, window_bounds = array<i64: 1024, 128>}]} {
    %get3A = arith.constant 0 : index
    %get3A_0 = arith.constant 0 : index
    %get3A_1 = arith.constant 0 : index
    %get3A_2 = vector.load %arg1[%get3A, %get3A_0, %get3A_1] : memref<2x1024x128xf32, #tpu.memory_space<vmem>>, vector<1x1024x128xf32>
    %get3A_3 = vector.shape_cast %get3A_2 : vector<1x1024x128xf32> to vector<1024x128xf32>
    %get3A_4 = arith.constant 1 : index
    %get3A_5 = arith.constant 0 : index
    %get3A_6 = arith.constant 0 : index
    %get3A_7 = vector.load %arg1[%get3A_4, %get3A_5, %get3A_6] : memref<2x1024x128xf32, #tpu.memory_space<vmem>>, vector<1x1024x128xf32>
    %get3A_8 = vector.shape_cast %get3A_7 : vector<1x1024x128xf32> to vector<1024x128xf32>
    %add3A = arith.addf %get3A_3, %get3A_8 : vector<1024x128xf32>
    %get3A_9 = arith.constant 0 : index
    %get3A_10 = arith.constant 0 : index
    %get3A_11 = vector.load %arg2[%get3A_9, %get3A_10] : memref<1024x128xf32, #tpu.memory_space<vmem>>, vector<1024x128xf32>
    %add3A_12 = arith.addf %add3A, %get3A_11 : vector<1024x128xf32>
    %get3A_13 = arith.constant 0 : index
    %get3A_14 = arith.constant 0 : index
    %get3A_15 = vector.load %arg3[%get3A_13, %get3A_14] : memref<1024x1xf32, #tpu.memory_space<vmem>>, vector<1024x1xf32>
    %mul3A = vector.broadcast %get3A_15 : vector<1024x1xf32> to vector<1024x128xf32>
    %mul3A_16 = arith.mulf %mul3A, %add3A_12 : vector<1024x128xf32>
    %get3A_17 = arith.constant 0 : index
    %get3A_18 = arith.constant 0 : index
    %get3A_19 = vector.load %arg4[%get3A_17, %get3A_18] : memref<1x128xf32, #tpu.memory_space<vmem>>, vector<1x128xf32>
    %add3A_20 = vector.broadcast %get3A_19 : vector<1x128xf32> to vector<1024x128xf32>
    %add3A_21 = arith.addf %mul3A_16, %add3A_20 : vector<1024x128xf32>
    %swap3A = arith.constant 0 : index
    %swap3A_22 = arith.constant 0 : index
    %swap3A_23 = vector.load %arg5[%swap3A, %swap3A_22] : memref<1024x128xf32, #tpu.memory_space<vmem>>, vector<1024x128xf32>
    tpu.vector_store %arg5[%swap3A, %swap3A_22], %add3A_21 {strides = array<i32>} : memref<1024x128xf32, #tpu.memory_space<vmem>>, vector<1024x128xf32>,
    return
  }
  func.func @transform_0(%arg0: i32) -> (i32, i32, i32) {
    %c0_i32 = arith.constant 0 : i32
    %c0_i32_0 = arith.constant 0 : i32
    %c0_i32_1 = arith.constant 0 : i32
    return %c0_i32, %arg0, %c0_i32_0 : i32, i32, i32
  }
  func.func @transform_1(%arg0: i32) -> (i32, i32) {
    %c0_i32 = arith.constant 0 : i32
    %c0_i32_0 = arith.constant 0 : i32
    return %arg0, %c0_i32 : i32, i32
  }
  func.func @transform_2(%arg0: i32) -> (i32, i32) {
    %c0_i32 = arith.constant 0 : i32
    %c0_i32_0 = arith.constant 0 : i32
    return %arg0, %c0_i32 : i32, i32
  }
  func.func @transform_3(%arg0: i32) -> (i32, i32) {
    %c0_i32 = arith.constant 0 : i32
    %c0_i32_0 = arith.constant 0 : i32
    %c0_i32_1 = arith.constant 0 : i32
    return %c0_i32, %c0_i32_0 : i32, i32
  }
  func.func @transform_4(%arg0: i32) -> (i32, i32) {
    %c0_i32 = arith.constant 0 : i32
    %c0_i32_0 = arith.constant 0 : i32
    return %arg0, %c0_i32 : i32, i32
  }
}

</mosaic_0001>

<sc_bundles>
// kernel: kernel.11.cloned.1.call-start
scs
__scs_entry_jumppad:
0x0: {  	(pc) =	sbr.rel $0x88, $3  }
0x1: {  	(tag) =	ssettag $0x0;
	lr =	simm.s32 $0x1  }
0x2: {  	[smem:$0x3F9B] =	sst lr;
	_ =	strace $0xD0000000  }
0x3: {  	_ = 	snop  }
0x4: {  	_ = 	snop  }
0x5: {  	_ = 	snop  }
0x6: {  	_ = 	snop  }
0x7: {  	_ = 	snop  }
__scs_overlays_trampoline_lowered:
0x8: {  	[smem:$0x3FAA] =	sst s0  }
0x9: {  	[smem:$0x3FAB] =	sst s1  }
0xa: {  	[smem:$0x3FAC] =	sst s2  }
0xb: {  	[smem:$0x3FAD] =	sst s3  }
0xc: {  	[smem:$0x3FAE] =	sst s4  }
0xd: {  	[smem:$0x3FAF] =	sst s5  }
0xe: {  	[smem:$0x3FB0] =	sst s6  }
0xf: {  	[smem:$0x3FB1] =	sst s7  }
0x10: {  	[smem:$0x3FB2] =	sst s8  }
0x11: {  	[smem:$0x3FB3] =	sst s9;
	s0 =	simm.s32 @!p0 $0x0  }
0x12: {  	s1 =	sld [smem:$0x3F99];
	s0 =	simm.s32 @p0 $0x1  }
0x13: {  	[smem:$0x3FB4] =	sst s0;
	s0 =	simm.s32 @!p1 $0x0  }
0x14: {  	s2 =	sld [smem:$0x3F98];
	s0 =	simm.s32 @p1 $0x1  }
0x15: {  	[smem:$0x3FB5] =	sst s0;
	s0 =	simm.s32 @!p2 $0x0  }
0x16: {  	s3 =	sld [smem:$0x3FDB];
	s0 =	simm.s32 @p2 $0x1  }
0x17: {  	s4 =	simm.s32 $0x1BF5;
	[smem:$0x3FB7] =	sst s0  }
0x18: {  	s0 =	sld [smem:$0x3F9A];
	_ =	swait.ge [sflag:s4], $0x0  }
0x19: {  	s7 =	sld [smem:$0x3F9B]  }
0x1a: {  	s8 =	sadd.s32 $0xFFFFE003, lr  }
0x1b: {  	s9 =	sadd.s32 $0xFFFFFEF7, lr;
	s5 =	simm.s32 $0xFFFFFFFF;
	p2 =	slt.u32 s8, $0xFFFFF086  }
0x1c: {  	p1 =	slt.u32 s9, $0xF7A;
	s5 =	simm.s32 @!p2 $0x0  }
0x1d: {  	s5 =	simm.s32 @p1 $0x1;
	p0 =	seq.s32 s7, s2  }
0x1e: {  	s7 =	smul.u32 @!p0 $0xF7A, s2;
	p2 =	seq.s32 @!p0 s5, $0x0  }
0x1f: {  	s9 =	smul.u32 $0xF7A, s1;
	s8 =	simm.s32 @!p0 $0x1BF5;
	p2 =	por !p2, p0  }
0x20: {  	[sflag:s8] =	ssyncset.s32 @!p0 $0xFFFFF086;
	s6 =	sadd.s32 @!p0 s3, s7;
	s7 =	simm.s32 @!p0 $0x108  }
0x21: {  	s3 =	sadd.s32 s3, s9;
	s6 =	sadd.s32 @!p0 $0x88, s6;
	s7 =	simm.s32 @p2 $0x1082  }
0x22: {  	[simem:s7], [sflag:s8] =	dma.local @!p0 [hbm:s6], $0xF7A  }
0x23: {  	s9 =	sor.u32 $0xD0000000, s2;
	s6 =	simm.s32 $0x108;
	_ =	swait.ge @!p0 [sflag:s8], $0x0  }
0x24: {  	s3 =	sadd.s32 $0x88, s3;
	s6 =	simm.s32 @!p1 $0x1082;
	[sflag:s4] =	ssyncset.s32 $0xFFFFF086  }
0x25: {  	[simem:s6], [sflag:s4] =	dma.local [hbm:s3], $0xF7A  }
0x26: {  	[smem:$0x3F9B] =	sst s1;
	(tag) =	ssettag s2;
	_ =	strace s9  }
0x27: {  	s1 =	sld [smem:$0x3FAB]  }
0x28: {  	s2 =	sld [smem:$0x3FAC]  }
0x29: {  	s4 =	sld [smem:$0x3FAE]  }
0x2a: {  	p0 =	seq.s32 s5, $0x0;
	s5 =	sld [smem:$0x3FAF]  }
0x2b: {  	s6 =	sld [smem:$0x3FB0]  }
0x2c: {  	s7 =	sld [smem:$0x3FB1]  }
0x2d: {  	s3 =	simm.s32 $0x108;
	s8 =	sld [smem:$0x3FB2]  }
0x2e: {  	s3 =	simm.s32 @!p0 $0x1082;
	s9 =	sld [smem:$0x3FB3]  }
0x2f: {  	lr =	sadd.s32 s0, s3;
	s0 =	sld [smem:$0x3FAA]  }
0x30: {  	s3 =	sld [smem:$0x3FAD]  }
0x31: {  	[smem:$0x3FB6] =	sst s10  }
0x32: {  	s10 =	sld [smem:$0x3FB4];
	_ =	sdelay $0x3  }
0x33: {  	p0 =	seq.s32 s10, $0x1;
	s10 =	sld [smem:$0x3FB6];
	_ =	sdelay $0x3  }
0x34: {  	[smem:$0x3FB6] =	sst s10  }
0x35: {  	s10 =	sld [smem:$0x3FB5];
	_ =	sdelay $0x3  }
0x36: {  	p1 =	seq.s32 s10, $0x1;
	s10 =	sld [smem:$0x3FB6];
	_ =	sdelay $0x3  }
0x37: {  	[smem:$0x3FB6] =	sst s10  }
0x38: {  	s10 =	sld [smem:$0x3FB7]  }
0x39: {  	_ = 	snop;
	(pc) =	sbr.ind lr, $3  }
0x3a: {  	_ = 	snop  }
0x3b: {  	_ = 	snop  }
0x3c: {  	p2 =	seq.s32 s10, $0x1;
	s10 =	sld [smem:$0x3FB6]  }
0x3d: {  	_ =	shalt  }
0x3e: {  	_ =	shalt  }
0x3f: {  	_ =	shalt  }
0x40: {  	_ =	shalt  }
0x41: {  	_ =	shalt  }
0x42: {  	_ =	shalt  }
0x43: {  	_ =	shalt  }
0x44: {  	_ =	shalt  }
0x45: {  	_ =	shalt  }
0x46: {  	_ =	shalt  }
0x47: {  	_ =	shalt  }
0x48: {  	_ =	shalt  }
0x49: {  	_ =	shalt  }
0x4a: {  	_ =	shalt  }
0x4b: {  	_ =	shalt  }
0x4c: {  	_ =	shalt  }
0x4d: {  	_ =	shalt  }
0x4e: {  	_ =	shalt  }
0x4f: {  	_ =	shalt  }
0x50: {  	_ =	shalt  }
0x51: {  	_ =	shalt  }
0x52: {  	_ =	shalt  }
0x53: {  	_ =	shalt  }
0x54: {  	_ =	shalt  }
0x55: {  	_ =	shalt  }
0x56: {  	_ =	shalt  }
0x57: {  	_ =	shalt  }
0x58: {  	_ =	shalt  }
0x59: {  	_ =	shalt  }
0x5a: {  	_ =	shalt  }
0x5b: {  	_ =	shalt  }
0x5c: {  	_ =	shalt  }
0x5d: {  	_ =	shalt  }
0x5e: {  	_ =	shalt  }
0x5f: {  	_ =	shalt  }
0x60: {  	_ =	shalt  }
0x61: {  	_ =	shalt  }
0x62: {  	_ =	shalt  }
0x63: {  	_ =	shalt  }
0x64: {  	_ =	shalt  }
0x65: {  	_ =	shalt  }
0x66: {  	_ =	shalt  }
0x67: {  	_ =	shalt  }
0x68: {  	_ =	shalt  }
0x69: {  	_ =	shalt  }
0x6a: {  	_ =	shalt  }
0x6b: {  	_ =	shalt  }
0x6c: {  	_ =	shalt  }
0x6d: {  	_ =	shalt  }
0x6e: {  	_ =	shalt  }
0x6f: {  	_ =	shalt  }
0x70: {  	_ =	shalt  }
0x71: {  	_ =	shalt  }
0x72: {  	_ =	shalt  }
0x73: {  	_ =	shalt  }
0x74: {  	_ =	shalt  }
0x75: {  	_ =	shalt  }
0x76: {  	_ =	shalt  }
0x77: {  	_ =	shalt  }
0x78: {  	_ =	shalt  }
0x79: {  	_ =	shalt  }
0x7a: {  	_ =	shalt  }
0x7b: {  	_ =	shalt  }
0x7c: {  	_ =	shalt  }
0x7d: {  	_ =	shalt  }
0x7e: {  	_ =	shalt  }
0x7f: {  	_ =	shalt  }
0x80: {  	_ =	shalt  }
0x81: {  	_ =	shalt  }
0x82: {  	_ =	shalt  }
0x83: {  	_ =	shalt  }
0x84: {  	_ =	shalt  }
0x85: {  	_ =	shalt  }
0x86: {  	_ =	shalt  }
0x87: {  	_ =	shalt  }
.Lfunc_end0:
.L_simem_size_0:
called_computation.1_lowered:
.L_overlay_start_0:
0x88: {  	s2 =	sld [smem:$0x3FD9]  }
0x89: {  	s3 =	sld [smem:$0x3FFE];
	_ =	sdelay $0x1  }
0x8a: {  	s1 =	srdreg.scid  }
0x8b: {  	s0 =	sand.u32 $0x1, s1  }
0x8c: {  	s17 =	sshll.u32 s0, $0xA;
	s2 =	sadd.s32 s3, s2  }
0x8d: {  	s2 =	sadd.s32 s2, s17  }
0x8e: {  	[smem:$0x3FC2] =	sst s2  }
0x8f: {  	_ = 	snop  }
0x90: {  	s2 =	sld [smem:$0x3FD0];
	(tm) =	ssettm $0x1  }
0x91: {  	s18 =	sld [smem:$0x3FFB];
	_ =	sdelay $0x3  }
0x92: {  	_ =	strace s18  }
0x93: {  	s3 =	sld [smem:$0x3FFC];
	_ =	sdelay $0x3  }
0x94: {  	_ =	strace s3  }
0x95: {  	s3 =	sld [smem:$0x3FFD];
	_ =	sdelay $0x3  }
0x96: {  	_ =	strace s3  }
0x97: {  	_ =	strace $0x8FFFFFFF  }
0x98: {  	s19 =	sld [smem:$0x3FDB];
	_ =	sdelay $0x1  }
0x99: {  	s4 =	simm.s32 $_scs_section_size  }
0x9a: {  	s5 =	simm.s32 $_size__tile_overlayer_lowered;
	s6 =	simm.s32 $_tile_overlayer_lowered  }
0x9b: {  	s22 =	simm.s32 $0x1BFF;
	s21 =	sshll.u32 s6, $0x1;
	s3 =	sadd.s32 s4, s19  }
0x9c: {  	s7 =	simm.s32 $0x0;
	s20 =	sshll.u32 s5, $0x1;
	s5 =	sadd.s32 s21, s3  }
0x9d: {  	[timem:s7], [sflag:s22] =	dma.local [hbm:s5], s20  }
0x9e: {  	_ =	swait.ge [sflag:s22], s20  }
0x9f: {  	s4 =	ssub.s32 $0x0, s20;
	[sflag:s22] =	ssyncset.done $0x0  }
0xa0: {  	[sflag:s22] =	ssyncadd.s32 s4;
	_ =	sdelay $0x1  }
0xa1: {  	s23 =	simm.s32 $0x1B8B  }
0xa2: {  	_ =	swait.ge [sflag:s23], $0x1  }
0xa3: {  	[sflag:s23] =	ssyncset.done $0x0  }
0xa4: {  	s25 =	simm.s32 $0x1B8E;
	s24 =	sld [smem:$0x3FFE];
	[sflag:s23] =	ssyncadd.s32 $0xFFFFFFFF  }
0xa5: {  	s26 =	simm.s32 $execute0_lowered;
	[smem:$0x3FD2] =	sst s25  }
0xa6: {  	s5 =	sshll.u32 s26, $0x1;
	_ =	strace $0x80000049;
	[dreg:$0x1] =	wrdreg $0xFFFFFFFF  }
0xa7: {  	s28 =	simm.s32 $_size_execute0_lowered;
	s3 =	sadd.s32 s3, s5;
	[dreg:$0x0] =	wrdreg $0x0  }
0xa8: {  	s5 =	sshll.u32 s28, $0x1;
	[dreg:$0x2] =	wrdreg s3  }
0xa9: {  	[dreg:$0x3] =	wrdreg s5  }
0xaa: {  	[dreg:$0x4] =	wrdreg $0xC0  }
0xab: {  	_ =	task [dreg:s7], $0x5FFFF  }
0xac: {  	[dreg:$0x1] =	wrdreg $0xFFFFFFFF  }
0xad: {  	[dreg:$0x0] =	wrdreg $0x60  }
0xae: {  	[dreg:$0x2] =	wrdreg s24  }
0xaf: {  	[dreg:$0x3] =	wrdreg s2  }
0xb0: {  	[dreg:$0x4] =	wrdreg $0x61000  }
0xb1: {  	[dreg:$0x5] =	wrdreg $0x9  }
0xb2: {  	_ =	task.clear_ibuf [dreg:s7], $0x6FFFF;
	_ =	strace $0x90000049  }
0xb3: {  	s29 =	simm.s32 $0x9;
	_ =	strace $0x8000004B  }
0xb4: {  	_ =	swait.ge [sflag:s29], $0x1  }
0xb5: {  	[sflag:s29] =	ssyncadd.s32 $0xFFFFFFFF  }
0xb6: {  	_ =	strace $0x9000004B  }
0xb7: {  	_ =	sfence  }
0xb8: {  	s30 =	sld [smem:$0x0];
	_ =	sdelay $0x2  }
0xb9: {  	s31 =	sshll.u32 s1, $0xD;
	s1 =	sshrl.u32 s1, $0x2  }
0xba: {  	s3 =	sand.u32 $0x4000, s31;
	s1 =	sadd.s32 s1, s30  }
0xbb: {  	s0 =	sor.u32 s3, s0;
	s1 =	sshll.u32 s1, $0x11  }
0xbc: {  	s0 =	sor.u32 s1, s0  }
0xbd: {  	s0 =	sadd.s32 $0x8F2B, s0  }
0xbe: {  	[sflag:s0] =	ssyncadd.remote.s32 $0x1  }
0xbf: {  	_ =	sfence.sel $0xFFFF  }
0xc0: {  	[dreg:$0x0] =	wrdreg $0xFFFFFFFF;
	(pc) =	sbr.abs _section_cstart, $3  }
0xc1: {  	[dreg:$0x1] =	wrdreg $0xFFFFFFFF  }
0xc2: {  	_ =	task.clear_ibuf [dreg:s7], $0x2FFFF;
	_ =	strace $0x9FFFFFFF  }
0xc3: {  	(tm) =	ssettm $0x7FFFFFFF  }
tec
execute0_lowered:
.L_overlay_start_1:
0x0: {  	(tag) =	ssettag $0x1  }
0x1: {  	s6 =	rddreg [dreg:$0x0];
	s0 =	stileid.u32  }
0x2: {  	s1 =	srdreg.scid;
	s16 =	rddreg [dreg:$0x1]  }
0x3: {  	s2 =	rddreg [dreg:$0x2];
	s3 =	simm.s32 $0x0;
	s21 =	simm.s32 $0x80  }
0x4: {  	s22 =	simm.s32 $0x100;
	s23 =	simm.s32 $0x1;
	s17 =	smul.u32 $0x9E0, s0  }
0x5: {  	s12 =	sand.u32 $0x1, s1;
	s1 =	rddreg [dreg:$0x3];
	s7 =	smul.u32 $0x14000, s0  }
0x6: {  	s24 =	simm.s32 $0x0;
	[smem:$0x7FF] =	sst s3;
	s8 =	smul.u32 $0x50000, s0  }
0x7: {  	s4 =	sadd.s32 $0x1E00, s6;
	s5 =	smul.u32 $0x140000, s12;
	_ =	strace $0x8000004A  }
0x8: {  	s31 =	ssub.s32 $0x2, s12;
	s20 =	smul.u32 $0x4F0, s12;
	s18 =	sadd.s32 s17, s6  }
0x9: {  	s8 =	sshrl.u32 s8, $0x2;
	s10 =	sshrl.u32 s31, $0x1;
	s17 =	sadd.s32 s17, s16  }
0xa: {  	s5 =	sadd.s32 s7, s5;
	s19 =	ssub.s32 s31, s10;
	s18 =	sadd.s32 s20, s18  }
0xb: {  	s17 =	sadd.s32 s20, s17;
	s20 =	simm.s32 $0x2;
	s9 =	sshrl.u32 s5, $0x3  }
0xc: {  	s5 =	sadd.s32 s8, s2;
	s16 =	smax.u32 s19, $0x1;
	s18 =	sadd.s32 $0x51E00, s18  }
0xd: {  	s19 =	simm.s32 $0x4100;
	s15 =	sadd.s32 s9, s6;
	s6 =	sadd.s32 $0x2000, s5  }
0xe: {  	s7 =	sadd.s32 $0x4000, s5;
	s8 =	sadd.s32 $0x6000, s5;
	s9 =	sadd.s32 $0x8000, s5  }
0xf: {  	s10 =	sadd.s32 $0xA000, s5;
	s11 =	sadd.s32 $0xC000, s5;
	s12 =	sadd.s32 $0xE000, s5  }
0x10: {  	v0 =	vimm.f32 $0.0e+00;
	s13 =	sadd.s32 $0x10000, s5;
	s14 =	sadd.s32 $0x12000, s5;
	s15 =	sadd.s32 $0x5BC00, s15  }
.LBB2_1:
0x11: {  	s25 =	sand.u32 $0x7E00, s3  }
0x12: {  	s26 =	sand.u32 $0x70, s3;
	s28 =	sshrl.u32 s25, $0x2  }
0x13: {  	s25 =	simm.s32 $0x40;
	s28 =	sor.u32 s26, s28;
	s26 =	simm.s32 $0x0  }
.LBB2_2:
0x14: {  	p0 =	sne.s32 s25, $0x7FC0  }
0x15: {  	[tilespmem:s28+$0x4100] =	vst v0;
	s26 =	sadd.s32 $0x10, s26;
	s28 =	smov.u32 s25;
	s25 =	sadd.s32 $0x40, s25  }
.Ltmp0:
0x16: {  	(pc) =	sbr.rel @p0 .LBB2_2-.Ltmp0, $4  }
0x17: {  	_ = 	snop  }
0x18: {  	s28 =	sand.u32 $0x7E00, s28  }
0x19: {  	s29 =	sand.u32 $0x70, s26;
	s28 =	sshrl.u32 s28, $0x2  }
0x1a: {  	s28 =	sor.u32 s29, s28  }
0x1b: {  	[tilespmem:s28+$0x4100] =	vst v0  }
0x1c: {  	[spmem:s5] =	stream.linear.scatter [tilespmem:s19], [sflag:$0x2], $0x2000, $0x38;
	[tilespmem:$0x1A100] =	vst v63  }
0x1d: {  	_ =	swait.ge [sflag:s20], $0x2000  }
0x1e: {  	[sflag:s20] =	ssyncset.done $0x0  }
0x1f: {  	[sflag:s20] =	ssyncadd.s32 $0xFFFFE000  }
0x20: {  	[spmem:s6] =	stream.linear.scatter [tilespmem:s19], [sflag:$0x2], $0x2000, $0x38;
	[tilespmem:$0x1A100] =	vst v63  }
0x21: {  	_ =	swait.ge [sflag:s20], $0x2000  }
0x22: {  	[sflag:s20] =	ssyncset.done $0x0  }
0x23: {  	[sflag:s20] =	ssyncadd.s32 $0xFFFFE000  }
0x24: {  	[spmem:s7] =	stream.linear.scatter [tilespmem:s19], [sflag:$0x2], $0x2000, $0x38;
	[tilespmem:$0x1A100] =	vst v63  }
0x25: {  	_ =	swait.ge [sflag:s20], $0x2000  }
0x26: {  	[sflag:s20] =	ssyncset.done $0x0  }
0x27: {  	[sflag:s20] =	ssyncadd.s32 $0xFFFFE000  }
0x28: {  	[spmem:s8] =	stream.linear.scatter [tilespmem:s19], [sflag:$0x2], $0x2000, $0x38;
	[tilespmem:$0x1A100] =	vst v63  }
0x29: {  	_ =	swait.ge [sflag:s20], $0x2000  }
0x2a: {  	[sflag:s20] =	ssyncset.done $0x0  }
0x2b: {  	[sflag:s20] =	ssyncadd.s32 $0xFFFFE000  }
0x2c: {  	[spmem:s9] =	stream.linear.scatter [tilespmem:s19], [sflag:$0x2], $0x2000, $0x38;
	[tilespmem:$0x1A100] =	vst v63  }
0x2d: {  	_ =	swait.ge [sflag:s20], $0x2000  }
0x2e: {  	[sflag:s20] =	ssyncset.done $0x0  }
0x2f: {  	[sflag:s20] =	ssyncadd.s32 $0xFFFFE000  }
0x30: {  	[spmem:s10] =	stream.linear.scatter [tilespmem:s19], [sflag:$0x2], $0x2000, $0x38;
	[tilespmem:$0x1A100] =	vst v63  }
0x31: {  	_ =	swait.ge [sflag:s20], $0x2000  }
0x32: {  	[sflag:s20] =	ssyncset.done $0x0  }
0x33: {  	[sflag:s20] =	ssyncadd.s32 $0xFFFFE000  }
0x34: {  	[spmem:s11] =	stream.linear.scatter [tilespmem:s19], [sflag:$0x2], $0x2000, $0x38;
	[tilespmem:$0x1A100] =	vst v63  }
0x35: {  	_ =	swait.ge [sflag:s20], $0x2000  }
0x36: {  	[sflag:s20] =	ssyncset.done $0x0  }
0x37: {  	[sflag:s20] =	ssyncadd.s32 $0xFFFFE000  }
0x38: {  	[spmem:s12] =	stream.linear.scatter [tilespmem:s19], [sflag:$0x2], $0x2000, $0x38;
	[tilespmem:$0x1A100] =	vst v63  }
0x39: {  	_ =	swait.ge [sflag:s20], $0x2000  }
0x3a: {  	[sflag:s20] =	ssyncset.done $0x0  }
0x3b: {  	[sflag:s20] =	ssyncadd.s32 $0xFFFFE000  }
0x3c: {  	[spmem:s13] =	stream.linear.scatter [tilespmem:s19], [sflag:$0x2], $0x2000, $0x38;
	[tilespmem:$0x1A100] =	vst v63  }
0x3d: {  	_ =	swait.ge [sflag:s20], $0x2000  }
0x3e: {  	[sflag:s20] =	ssyncset.done $0x0  }
0x3f: {  	[sflag:s20] =	ssyncadd.s32 $0xFFFFE000  }
0x40: {  	[spmem:s14] =	stream.linear.scatter [tilespmem:s19], [sflag:$0x2], $0x2000, $0x38;
	[tilespmem:$0x1A100] =	vst v63  }
0x41: {  	_ =	swait.ge [sflag:s20], $0x2000  }
0x42: {  	[sflag:s20] =	ssyncset.done $0x0  }
0x43: {  	[sflag:s20] =	ssyncadd.s32 $0xFFFFE000  }
0x44: {  	s25 =	sadd.s32 $0x0, s18;
	[bflag:$0x0] =	sbarrier.arrive $0xFFFF  }
0x45: {  	[tilespmem:s3], [sflag:$0x2] =	stream.linear.gather [hbm4b:s25+s3], $0x80, $0x38;
	[tilespmem:$0x1A100] =	vst v63  }
0x46: {  	_ =	swait.ge [sflag:s20], $0x80  }
0x47: {  	[sflag:s20] =	ssyncset.done $0x0  }
0x48: {  	s31 =	sadd.s32 $0x0, s17;
	[sflag:s20] =	ssyncadd.s32 $0xFFFFFF80  }
0x49: {  	[tilespmem:s21], [sflag:$0x2] =	stream.linear.gather [hbm4b:s31+s3], $0x80, $0x38;
	[tilespmem:$0x1A100] =	vst v63  }
0x4a: {  	_ =	swait.ge [sflag:s20], $0x80  }
0x4b: {  	[sflag:s20] =	ssyncset.done $0x0  }
0x4c: {  	[sflag:s20] =	ssyncadd.s32 $0xFFFFFF80  }
0x4d: {  	[tilespmem:s22], [sflag:$0x1] =	stream.indirect.gather [hbm4b:s4+s21], $0x80, s3, s21, $0xb8;
	[tilespmem:$0x1A100] =	vst v63  }
0x4e: {  	_ =	swait.ge [sflag:s23], $0x4000  }
0x4f: {  	[sflag:s23] =	ssyncset.done $0x0  }
0x50: {  	[sflag:s23] =	ssyncadd.s32 $0xFFFFC000  }
0x51: {  	[spmem:s2] =	stream.indirect.scatter.add.f32 [tilespmem:s22], [sflag:$0x2], $0x80, s21, s21, $0xb8;
	[tilespmem:$0x1A100] =	vst v63  }
0x52: {  	_ =	swait.ge [sflag:s20], $0x4000  }
0x53: {  	s26 =	simm.s32 $0x20;
	s25 =	simm.s32 $0x10;
	[sflag:s20] =	ssyncset.done $0x0  }
.LBB2_4:
0x54: {  	s28 =	sadd.s32 s25, s18  }
0x55: {  	[sflag:s20] =	ssyncadd.s32 $0xFFFFC000;
	s29 =	smov.u32 s26;
	s30 =	sadd.s32 $0x10, s26  }
0x56: {  	[tilespmem:s3], [sflag:$0x2] =	stream.linear.gather [hbm4b:s28+s3], $0x80, $0x38;
	[tilespmem:$0x1A100] =	vst v63  }
0x57: {  	p0 =	sne.s32 s26, $0x4E0;
	_ =	swait.ge [sflag:s20], $0x80  }
0x58: {  	[sflag:s20] =	ssyncset.done $0x0  }
0x59: {  	s26 =	sadd.s32 s25, s17;
	s25 =	smov.u32 s29;
	[sflag:s20] =	ssyncadd.s32 $0xFFFFFF80  }
0x5a: {  	[tilespmem:s21], [sflag:$0x2] =	stream.linear.gather [hbm4b:s26+s3], $0x80, $0x38;
	[tilespmem:$0x1A100] =	vst v63  }
0x5b: {  	_ =	swait.ge [sflag:s20], $0x80  }
0x5c: {  	[sflag:s20] =	ssyncset.done $0x0  }
0x5d: {  	[sflag:s20] =	ssyncadd.s32 $0xFFFFFF80  }
0x5e: {  	[tilespmem:s22], [sflag:$0x1] =	stream.indirect.gather [hbm4b:s4+s21], $0x80, s3, s21, $0xb8;
	[tilespmem:$0x1A100] =	vst v63  }
0x5f: {  	_ =	swait.ge [sflag:s23], $0x4000  }
.Ltmp1:
0x60: {  	[sflag:s23] =	ssyncset.done $0x0;
	(pc) =	sbr.rel @p0 .LBB2_4-.Ltmp1, $4  }
0x61: {  	[sflag:s23] =	ssyncadd.s32 $0xFFFFC000  }
0x62: {  	[spmem:s2] =	stream.indirect.scatter.add.f32 [tilespmem:s22], [sflag:$0x2], $0x80, s21, s21, $0xb8;
	[tilespmem:$0x1A100] =	vst v63  }
0x63: {  	_ =	swait.ge [sflag:s20], $0x4000  }
0x64: {  	s26 =	smov.u32 s30;
	[sflag:s20] =	ssyncset.done $0x0  }
0x65: {  	s26 =	sadd.s32 s25, s18;
	[sflag:s20] =	ssyncadd.s32 $0xFFFFC000  }
0x66: {  	[tilespmem:s3], [sflag:$0x2] =	stream.linear.gather [hbm4b:s26+s3], $0x80, $0x38;
	[tilespmem:$0x1A100] =	vst v63  }
0x67: {  	_ =	swait.ge [sflag:s20], $0x80  }
0x68: {  	[sflag:s20] =	ssyncset.done $0x0  }
0x69: {  	s29 =	sadd.s32 s25, s17;
	[sflag:s20] =	ssyncadd.s32 $0xFFFFFF80  }
0x6a: {  	[tilespmem:s21], [sflag:$0x2] =	stream.linear.gather [hbm4b:s29+s3], $0x80, $0x38;
	[tilespmem:$0x1A100] =	vst v63  }
0x6b: {  	_ =	swait.ge [sflag:s20], $0x80  }
0x6c: {  	[sflag:s20] =	ssyncset.done $0x0  }
0x6d: {  	[sflag:s20] =	ssyncadd.s32 $0xFFFFFF80  }
0x6e: {  	[tilespmem:s22], [sflag:$0x1] =	stream.indirect.gather [hbm4b:s4+s21], $0x80, s3, s21, $0xb8;
	[tilespmem:$0x1A100] =	vst v63  }
0x6f: {  	_ =	swait.ge [sflag:s23], $0x4000  }
0x70: {  	[sflag:s23] =	ssyncset.done $0x0  }
0x71: {  	[sflag:s23] =	ssyncadd.s32 $0xFFFFC000  }
0x72: {  	[spmem:s2] =	stream.indirect.scatter.add.f32 [tilespmem:s22], [sflag:$0x2], $0x80, s21, s21, $0xb8;
	[tilespmem:$0x1A100] =	vst v63  }
0x73: {  	_ =	swait.ge [sflag:s20], $0x4000  }
0x74: {  	s30 =	sshll.u32 s0, $0x6;
	s24 =	sadd.s32 $0x1, s24;
	[sflag:s20] =	ssyncset.done $0x0  }
0x75: {  	s31 =	sshrl.u32 s5, $0x3;
	p0 =	sne.s32 s24, s16;
	[sflag:s20] =	ssyncadd.s32 $0xFFFFC000  }
.Ltmp2:
0x76: {  	s25 =	sor.u32 $0x1C02, s30;
	[bflag:$0x0] =	sbarrier.arrive $0xFFFF;
	(pc) =	sbr.rel @p0 .LBB2_1-.Ltmp2, $4  }
0x77: {  	[hbm:s15], [sflag:s25] =	dma.local [spmem:s31], $0x2800  }
0x78: {  	_ =	swait.ge [sflag:s20], $0x2800  }
0x79: {  	[sflag:s20] =	ssyncset.done $0x0  }
0x7a: {  	[sflag:s20] =	ssyncadd.s32 $0xFFFFD800  }
0x7b: {  	_ =	sfence.sel $0x180000  }
0x7c: {  	[bflag:$0x0] =	sbarrier.arrive $0xFFFF  }
0x7d: {  	p0 =	sne.s32 s0, $0x0;
	_ =	strace $0x9000004A  }
0x7e: {  	s0 =	sadd.s32 @!p0 $0x100000, s1;
	[bflag:$0x2] =	sbarrier.arrive $0xFFFF  }
0x7f: {  	[sflag:s0] =	ssyncadd.tile.s32 @!p0 $0x1;
	_ =	shalt  }
.Lfunc_end2:
_tile_overlayer_lowered:
.L_overlay_start_2:
0x80: {  	(tag) =	ssettag $0x2  }
0x81: {  	s0 =	rddreg [dreg:$0x0];
	s2 =	stileid.u32  }
0x82: {  	s1 =	rddreg [dreg:$0x1];
	p0 =	sne.s32 s2, $0x0  }
0x83: {  	s3 =	rddreg [dreg:$0x2];
	[bflag:$0x3] =	sbarrier.arrive $0xFFFF;
	s2 =	simm.s32 @!p0 $0x1C02  }
0x84: {  	[timem:s3], [sflag:s2] =	dma.local @!p0 [hbm:s0], s1  }
0x85: {  	s0 =	simm.s32 @!p0 $0x2  }
0x86: {  	_ =	swait.ge @!p0 [sflag:s0], s1  }
0x87: {  	s1 =	ssub.s32 @!p0 $0x0, s1;
	[sflag:s0] =	ssyncset.done @!p0 $0x0  }
0x88: {  	[sflag:s0] =	ssyncadd.s32 @!p0 s1  }
0x89: {  	[bflag:$0x3] =	sbarrier.arrive $0xFFFF  }
0x8a: {  	_ =	shalt  }

// kernel: kernel.14.cloned.1.call-start
scs
__scs_entry_jumppad:
0x0: {  	(pc) =	sbr.rel $0x88, $3  }
0x1: {  	(tag) =	ssettag $0x0;
	lr =	simm.s32 $0x1  }
0x2: {  	[smem:$0x3F9B] =	sst lr;
	_ =	strace $0xD0000000  }
0x3: {  	_ = 	snop  }
0x4: {  	_ = 	snop  }
0x5: {  	_ = 	snop  }
0x6: {  	_ = 	snop  }
0x7: {  	_ = 	snop  }
__scs_overlays_trampoline_lowered:
0x8: {  	[smem:$0x3FAA] =	sst s0  }
0x9: {  	[smem:$0x3FAB] =	sst s1  }
0xa: {  	[smem:$0x3FAC] =	sst s2  }
0xb: {  	[smem:$0x3FAD] =	sst s3  }
0xc: {  	[smem:$0x3FAE] =	sst s4  }
0xd: {  	[smem:$0x3FAF] =	sst s5  }
0xe: {  	[smem:$0x3FB0] =	sst s6  }
0xf: {  	[smem:$0x3FB1] =	sst s7  }
0x10: {  	[smem:$0x3FB2] =	sst s8  }
0x11: {  	[smem:$0x3FB3] =	sst s9;
	s0 =	simm.s32 @!p0 $0x0  }
0x12: {  	s1 =	sld [smem:$0x3F99];
	s0 =	simm.s32 @p0 $0x1  }
0x13: {  	[smem:$0x3FB4] =	sst s0;
	s0 =	simm.s32 @!p1 $0x0  }
0x14: {  	s2 =	sld [smem:$0x3F98];
	s0 =	simm.s32 @p1 $0x1  }
0x15: {  	[smem:$0x3FB5] =	sst s0;
	s0 =	simm.s32 @!p2 $0x0  }
0x16: {  	s3 =	sld [smem:$0x3FDB];
	s0 =	simm.s32 @p2 $0x1  }
0x17: {  	s4 =	simm.s32 $0x1BF5;
	[smem:$0x3FB7] =	sst s0  }
0x18: {  	s0 =	sld [smem:$0x3F9A];
	_ =	swait.ge [sflag:s4], $0x0  }
0x19: {  	s7 =	sld [smem:$0x3F9B]  }
0x1a: {  	s8 =	sadd.s32 $0xFFFFE003, lr  }
0x1b: {  	s9 =	sadd.s32 $0xFFFFFEF7, lr;
	s5 =	simm.s32 $0xFFFFFFFF;
	p2 =	slt.u32 s8, $0xFFFFF086  }
0x1c: {  	p1 =	slt.u32 s9, $0xF7A;
	s5 =	simm.s32 @!p2 $0x0  }
0x1d: {  	s5 =	simm.s32 @p1 $0x1;
	p0 =	seq.s32 s7, s2  }
0x1e: {  	s7 =	smul.u32 @!p0 $0xF7A, s2;
	p2 =	seq.s32 @!p0 s5, $0x0  }
0x1f: {  	s9 =	smul.u32 $0xF7A, s1;
	s8 =	simm.s32 @!p0 $0x1BF5;
	p2 =	por !p2, p0  }
0x20: {  	[sflag:s8] =	ssyncset.s32 @!p0 $0xFFFFF086;
	s6 =	sadd.s32 @!p0 s3, s7;
	s7 =	simm.s32 @!p0 $0x108  }
0x21: {  	s3 =	sadd.s32 s3, s9;
	s6 =	sadd.s32 @!p0 $0x88, s6;
	s7 =	simm.s32 @p2 $0x1082  }
0x22: {  	[simem:s7], [sflag:s8] =	dma.local @!p0 [hbm:s6], $0xF7A  }
0x23: {  	s9 =	sor.u32 $0xD0000000, s2;
	s6 =	simm.s32 $0x108;
	_ =	swait.ge @!p0 [sflag:s8], $0x0  }
0x24: {  	s3 =	sadd.s32 $0x88, s3;
	s6 =	simm.s32 @!p1 $0x1082;
	[sflag:s4] =	ssyncset.s32 $0xFFFFF086  }
0x25: {  	[simem:s6], [sflag:s4] =	dma.local [hbm:s3], $0xF7A  }
0x26: {  	[smem:$0x3F9B] =	sst s1;
	(tag) =	ssettag s2;
	_ =	strace s9  }
0x27: {  	s1 =	sld [smem:$0x3FAB]  }
0x28: {  	s2 =	sld [smem:$0x3FAC]  }
0x29: {  	s4 =	sld [smem:$0x3FAE]  }
0x2a: {  	p0 =	seq.s32 s5, $0x0;
	s5 =	sld [smem:$0x3FAF]  }
0x2b: {  	s6 =	sld [smem:$0x3FB0]  }
0x2c: {  	s7 =	sld [smem:$0x3FB1]  }
0x2d: {  	s3 =	simm.s32 $0x108;
	s8 =	sld [smem:$0x3FB2]  }
0x2e: {  	s3 =	simm.s32 @!p0 $0x1082;
	s9 =	sld [smem:$0x3FB3]  }
0x2f: {  	lr =	sadd.s32 s0, s3;
	s0 =	sld [smem:$0x3FAA]  }
0x30: {  	s3 =	sld [smem:$0x3FAD]  }
0x31: {  	[smem:$0x3FB6] =	sst s10  }
0x32: {  	s10 =	sld [smem:$0x3FB4];
	_ =	sdelay $0x3  }
0x33: {  	p0 =	seq.s32 s10, $0x1;
	s10 =	sld [smem:$0x3FB6];
	_ =	sdelay $0x3  }
0x34: {  	[smem:$0x3FB6] =	sst s10  }
0x35: {  	s10 =	sld [smem:$0x3FB5];
	_ =	sdelay $0x3  }
0x36: {  	p1 =	seq.s32 s10, $0x1;
	s10 =	sld [smem:$0x3FB6];
	_ =	sdelay $0x3  }
0x37: {  	[smem:$0x3FB6] =	sst s10  }
0x38: {  	s10 =	sld [smem:$0x3FB7]  }
0x39: {  	_ = 	snop;
	(pc) =	sbr.ind lr, $3  }
0x3a: {  	_ = 	snop  }
0x3b: {  	_ = 	snop  }
0x3c: {  	p2 =	seq.s32 s10, $0x1;
	s10 =	sld [smem:$0x3FB6]  }
0x3d: {  	_ =	shalt  }
0x3e: {  	_ =	shalt  }
0x3f: {  	_ =	shalt  }
0x40: {  	_ =	shalt  }
0x41: {  	_ =	shalt  }
0x42: {  	_ =	shalt  }
0x43: {  	_ =	shalt  }
0x44: {  	_ =	shalt  }
0x45: {  	_ =	shalt  }
0x46: {  	_ =	shalt  }
0x47: {  	_ =	shalt  }
0x48: {  	_ =	shalt  }
0x49: {  	_ =	shalt  }
0x4a: {  	_ =	shalt  }
0x4b: {  	_ =	shalt  }
0x4c: {  	_ =	shalt  }
0x4d: {  	_ =	shalt  }
0x4e: {  	_ =	shalt  }
0x4f: {  	_ =	shalt  }
0x50: {  	_ =	shalt  }
0x51: {  	_ =	shalt  }
0x52: {  	_ =	shalt  }
0x53: {  	_ =	shalt  }
0x54: {  	_ =	shalt  }
0x55: {  	_ =	shalt  }
0x56: {  	_ =	shalt  }
0x57: {  	_ =	shalt  }
0x58: {  	_ =	shalt  }
0x59: {  	_ =	shalt  }
0x5a: {  	_ =	shalt  }
0x5b: {  	_ =	shalt  }
0x5c: {  	_ =	shalt  }
0x5d: {  	_ =	shalt  }
0x5e: {  	_ =	shalt  }
0x5f: {  	_ =	shalt  }
0x60: {  	_ =	shalt  }
0x61: {  	_ =	shalt  }
0x62: {  	_ =	shalt  }
0x63: {  	_ =	shalt  }
0x64: {  	_ =	shalt  }
0x65: {  	_ =	shalt  }
0x66: {  	_ =	shalt  }
0x67: {  	_ =	shalt  }
0x68: {  	_ =	shalt  }
0x69: {  	_ =	shalt  }
0x6a: {  	_ =	shalt  }
0x6b: {  	_ =	shalt  }
0x6c: {  	_ =	shalt  }
0x6d: {  	_ =	shalt  }
0x6e: {  	_ =	shalt  }
0x6f: {  	_ =	shalt  }
0x70: {  	_ =	shalt  }
0x71: {  	_ =	shalt  }
0x72: {  	_ =	shalt  }
0x73: {  	_ =	shalt  }
0x74: {  	_ =	shalt  }
0x75: {  	_ =	shalt  }
0x76: {  	_ =	shalt  }
0x77: {  	_ =	shalt  }
0x78: {  	_ =	shalt  }
0x79: {  	_ =	shalt  }
0x7a: {  	_ =	shalt  }
0x7b: {  	_ =	shalt  }
0x7c: {  	_ =	shalt  }
0x7d: {  	_ =	shalt  }
0x7e: {  	_ =	shalt  }
0x7f: {  	_ =	shalt  }
0x80: {  	_ =	shalt  }
0x81: {  	_ =	shalt  }
0x82: {  	_ =	shalt  }
0x83: {  	_ =	shalt  }
0x84: {  	_ =	shalt  }
0x85: {  	_ =	shalt  }
0x86: {  	_ =	shalt  }
0x87: {  	_ =	shalt  }
.Lfunc_end0:
.L_simem_size_0:
called_computation.2_lowered:
.L_overlay_start_0:
0x88: {  	s2 =	sld [smem:$0x3FD9]  }
0x89: {  	s3 =	sld [smem:$0x3FFE];
	_ =	sdelay $0x1  }
0x8a: {  	s1 =	srdreg.scid  }
0x8b: {  	s0 =	sand.u32 $0x1, s1  }
0x8c: {  	s17 =	sshll.u32 s0, $0xA;
	s2 =	sadd.s32 s3, s2  }
0x8d: {  	s2 =	sadd.s32 s2, s17  }
0x8e: {  	[smem:$0x3FC2] =	sst s2  }
0x8f: {  	_ = 	snop  }
0x90: {  	s2 =	sld [smem:$0x3FD0];
	(tm) =	ssettm $0x1  }
0x91: {  	s18 =	sld [smem:$0x3FFB];
	_ =	sdelay $0x3  }
0x92: {  	_ =	strace s18  }
0x93: {  	s3 =	sld [smem:$0x3FFC];
	_ =	sdelay $0x3  }
0x94: {  	_ =	strace s3  }
0x95: {  	s3 =	sld [smem:$0x3FFD];
	_ =	sdelay $0x3  }
0x96: {  	_ =	strace s3  }
0x97: {  	_ =	strace $0x8FFFFFFF  }
0x98: {  	s19 =	sld [smem:$0x3FDB];
	_ =	sdelay $0x1  }
0x99: {  	s4 =	simm.s32 $_scs_section_size  }
0x9a: {  	s5 =	simm.s32 $_size__tile_overlayer_lowered;
	s6 =	simm.s32 $_tile_overlayer_lowered  }
0x9b: {  	s22 =	simm.s32 $0x1BFF;
	s21 =	sshll.u32 s6, $0x1;
	s3 =	sadd.s32 s4, s19  }
0x9c: {  	s7 =	simm.s32 $0x0;
	s20 =	sshll.u32 s5, $0x1;
	s5 =	sadd.s32 s21, s3  }
0x9d: {  	[timem:s7], [sflag:s22] =	dma.local [hbm:s5], s20  }
0x9e: {  	_ =	swait.ge [sflag:s22], s20  }
0x9f: {  	s4 =	ssub.s32 $0x0, s20;
	[sflag:s22] =	ssyncset.done $0x0  }
0xa0: {  	[sflag:s22] =	ssyncadd.s32 s4;
	_ =	sdelay $0x1  }
0xa1: {  	s23 =	simm.s32 $0x1B8B  }
0xa2: {  	_ =	swait.ge [sflag:s23], $0x1  }
0xa3: {  	[sflag:s23] =	ssyncset.done $0x0  }
0xa4: {  	s25 =	simm.s32 $0x1B8E;
	s24 =	sld [smem:$0x3FFE];
	[sflag:s23] =	ssyncadd.s32 $0xFFFFFFFF  }
0xa5: {  	s26 =	simm.s32 $execute0_lowered;
	[smem:$0x3FD2] =	sst s25  }
0xa6: {  	s5 =	sshll.u32 s26, $0x1;
	_ =	strace $0x8000004C;
	[dreg:$0x1] =	wrdreg $0xFFFFFFFF  }
0xa7: {  	s28 =	simm.s32 $_size_execute0_lowered;
	s3 =	sadd.s32 s3, s5;
	[dreg:$0x0] =	wrdreg $0x0  }
0xa8: {  	s5 =	sshll.u32 s28, $0x1;
	[dreg:$0x2] =	wrdreg s3  }
0xa9: {  	[dreg:$0x3] =	wrdreg s5  }
0xaa: {  	[dreg:$0x4] =	wrdreg $0xC0  }
0xab: {  	_ =	task [dreg:s7], $0x5FFFF  }
0xac: {  	[dreg:$0x1] =	wrdreg $0xFFFFFFFF  }
0xad: {  	[dreg:$0x0] =	wrdreg $0x60  }
0xae: {  	[dreg:$0x2] =	wrdreg s24  }
0xaf: {  	[dreg:$0x3] =	wrdreg s2  }
0xb0: {  	[dreg:$0x4] =	wrdreg $0x61000  }
0xb1: {  	[dreg:$0x5] =	wrdreg $0x9  }
0xb2: {  	_ =	task.clear_ibuf [dreg:s7], $0x6FFFF;
	_ =	strace $0x9000004C  }
0xb3: {  	s29 =	simm.s32 $0x9;
	_ =	strace $0x8000004E  }
0xb4: {  	_ =	swait.ge [sflag:s29], $0x1  }
0xb5: {  	[sflag:s29] =	ssyncadd.s32 $0xFFFFFFFF  }
0xb6: {  	_ =	strace $0x9000004E  }
0xb7: {  	_ =	sfence  }
0xb8: {  	s30 =	sld [smem:$0x0];
	_ =	sdelay $0x2  }
0xb9: {  	s31 =	sshll.u32 s1, $0xD;
	s1 =	sshrl.u32 s1, $0x2  }
0xba: {  	s3 =	sand.u32 $0x4000, s31;
	s1 =	sadd.s32 s1, s30  }
0xbb: {  	s0 =	sor.u32 s3, s0;
	s1 =	sshll.u32 s1, $0x11  }
0xbc: {  	s0 =	sor.u32 s1, s0  }
0xbd: {  	s0 =	sadd.s32 $0x8F2B, s0  }
0xbe: {  	[sflag:s0] =	ssyncadd.remote.s32 $0x1  }
0xbf: {  	_ =	sfence.sel $0xFFFF  }
0xc0: {  	[dreg:$0x0] =	wrdreg $0xFFFFFFFF;
	(pc) =	sbr.abs _section_cstart, $3  }
0xc1: {  	[dreg:$0x1] =	wrdreg $0xFFFFFFFF  }
0xc2: {  	_ =	task.clear_ibuf [dreg:s7], $0x2FFFF;
	_ =	strace $0x9FFFFFFF  }
0xc3: {  	(tm) =	ssettm $0x7FFFFFFF  }
tec
execute0_lowered:
.L_overlay_start_1:
0x0: {  	(tag) =	ssettag $0x1  }
0x1: {  	s6 =	rddreg [dreg:$0x0];
	s0 =	stileid.u32  }
0x2: {  	s1 =	srdreg.scid;
	s16 =	rddreg [dreg:$0x1]  }
0x3: {  	s2 =	rddreg [dreg:$0x2];
	s3 =	simm.s32 $0x0;
	s21 =	simm.s32 $0x80  }
0x4: {  	s22 =	simm.s32 $0x100;
	s23 =	simm.s32 $0x1;
	s17 =	smul.u32 $0x9E0, s0  }
0x5: {  	s12 =	sand.u32 $0x1, s1;
	s1 =	rddreg [dreg:$0x3];
	s7 =	smul.u32 $0x14000, s0  }
0x6: {  	s24 =	simm.s32 $0x0;
	[smem:$0x7FF] =	sst s3;
	s8 =	smul.u32 $0x50000, s0  }
0x7: {  	s4 =	sadd.s32 $0x1E00, s6;
	s5 =	smul.u32 $0x140000, s12;
	_ =	strace $0x8000004D  }
0x8: {  	s31 =	ssub.s32 $0x2, s12;
	s20 =	smul.u32 $0x4F0, s12;
	s18 =	sadd.s32 s17, s6  }
0x9: {  	s8 =	sshrl.u32 s8, $0x2;
	s10 =	sshrl.u32 s31, $0x1;
	s17 =	sadd.s32 s17, s16  }
0xa: {  	s5 =	sadd.s32 s7, s5;
	s19 =	ssub.s32 s31, s10;
	s18 =	sadd.s32 s20, s18  }
0xb: {  	s17 =	sadd.s32 s20, s17;
	s20 =	simm.s32 $0x2;
	s9 =	sshrl.u32 s5, $0x3  }
0xc: {  	s5 =	sadd.s32 s8, s2;
	s16 =	smax.u32 s19, $0x1;
	s18 =	sadd.s32 $0x51E00, s18  }
0xd: {  	s19 =	simm.s32 $0x4100;
	s15 =	sadd.s32 s9, s6;
	s6 =	sadd.s32 $0x2000, s5  }
0xe: {  	s7 =	sadd.s32 $0x4000, s5;
	s8 =	sadd.s32 $0x6000, s5;
	s9 =	sadd.s32 $0x8000, s5  }
0xf: {  	s10 =	sadd.s32 $0xA000, s5;
	s11 =	sadd.s32 $0xC000, s5;
	s12 =	sadd.s32 $0xE000, s5  }
0x10: {  	v0 =	vimm.f32 $0.0e+00;
	s13 =	sadd.s32 $0x10000, s5;
	s14 =	sadd.s32 $0x12000, s5;
	s15 =	sadd.s32 $0x5BC00, s15  }
.LBB2_1:
0x11: {  	s25 =	sand.u32 $0x7E00, s3  }
0x12: {  	s26 =	sand.u32 $0x70, s3;
	s28 =	sshrl.u32 s25, $0x2  }
0x13: {  	s25 =	simm.s32 $0x40;
	s28 =	sor.u32 s26, s28;
	s26 =	simm.s32 $0x0  }
.LBB2_2:
0x14: {  	p0 =	sne.s32 s25, $0x7FC0  }
0x15: {  	[tilespmem:s28+$0x4100] =	vst v0;
	s26 =	sadd.s32 $0x10, s26;
	s28 =	smov.u32 s25;
	s25 =	sadd.s32 $0x40, s25  }
.Ltmp0:
0x16: {  	(pc) =	sbr.rel @p0 .LBB2_2-.Ltmp0, $4  }
0x17: {  	_ = 	snop  }
0x18: {  	s28 =	sand.u32 $0x7E00, s28  }
0x19: {  	s29 =	sand.u32 $0x70, s26;
	s28 =	sshrl.u32 s28, $0x2  }
0x1a: {  	s28 =	sor.u32 s29, s28  }
0x1b: {  	[tilespmem:s28+$0x4100] =	vst v0  }
0x1c: {  	[spmem:s5] =	stream.linear.scatter [tilespmem:s19], [sflag:$0x2], $0x2000, $0x38;
	[tilespmem:$0x1A100] =	vst v63  }
0x1d: {  	_ =	swait.ge [sflag:s20], $0x2000  }
0x1e: {  	[sflag:s20] =	ssyncset.done $0x0  }
0x1f: {  	[sflag:s20] =	ssyncadd.s32 $0xFFFFE000  }
0x20: {  	[spmem:s6] =	stream.linear.scatter [tilespmem:s19], [sflag:$0x2], $0x2000, $0x38;
	[tilespmem:$0x1A100] =	vst v63  }
0x21: {  	_ =	swait.ge [sflag:s20], $0x2000  }
0x22: {  	[sflag:s20] =	ssyncset.done $0x0  }
0x23: {  	[sflag:s20] =	ssyncadd.s32 $0xFFFFE000  }
0x24: {  	[spmem:s7] =	stream.linear.scatter [tilespmem:s19], [sflag:$0x2], $0x2000, $0x38;
	[tilespmem:$0x1A100] =	vst v63  }
0x25: {  	_ =	swait.ge [sflag:s20], $0x2000  }
0x26: {  	[sflag:s20] =	ssyncset.done $0x0  }
0x27: {  	[sflag:s20] =	ssyncadd.s32 $0xFFFFE000  }
0x28: {  	[spmem:s8] =	stream.linear.scatter [tilespmem:s19], [sflag:$0x2], $0x2000, $0x38;
	[tilespmem:$0x1A100] =	vst v63  }
0x29: {  	_ =	swait.ge [sflag:s20], $0x2000  }
0x2a: {  	[sflag:s20] =	ssyncset.done $0x0  }
0x2b: {  	[sflag:s20] =	ssyncadd.s32 $0xFFFFE000  }
0x2c: {  	[spmem:s9] =	stream.linear.scatter [tilespmem:s19], [sflag:$0x2], $0x2000, $0x38;
	[tilespmem:$0x1A100] =	vst v63  }
0x2d: {  	_ =	swait.ge [sflag:s20], $0x2000  }
0x2e: {  	[sflag:s20] =	ssyncset.done $0x0  }
0x2f: {  	[sflag:s20] =	ssyncadd.s32 $0xFFFFE000  }
0x30: {  	[spmem:s10] =	stream.linear.scatter [tilespmem:s19], [sflag:$0x2], $0x2000, $0x38;
	[tilespmem:$0x1A100] =	vst v63  }
0x31: {  	_ =	swait.ge [sflag:s20], $0x2000  }
0x32: {  	[sflag:s20] =	ssyncset.done $0x0  }
0x33: {  	[sflag:s20] =	ssyncadd.s32 $0xFFFFE000  }
0x34: {  	[spmem:s11] =	stream.linear.scatter [tilespmem:s19], [sflag:$0x2], $0x2000, $0x38;
	[tilespmem:$0x1A100] =	vst v63  }
0x35: {  	_ =	swait.ge [sflag:s20], $0x2000  }
0x36: {  	[sflag:s20] =	ssyncset.done $0x0  }
0x37: {  	[sflag:s20] =	ssyncadd.s32 $0xFFFFE000  }
0x38: {  	[spmem:s12] =	stream.linear.scatter [tilespmem:s19], [sflag:$0x2], $0x2000, $0x38;
	[tilespmem:$0x1A100] =	vst v63  }
0x39: {  	_ =	swait.ge [sflag:s20], $0x2000  }
0x3a: {  	[sflag:s20] =	ssyncset.done $0x0  }
0x3b: {  	[sflag:s20] =	ssyncadd.s32 $0xFFFFE000  }
0x3c: {  	[spmem:s13] =	stream.linear.scatter [tilespmem:s19], [sflag:$0x2], $0x2000, $0x38;
	[tilespmem:$0x1A100] =	vst v63  }
0x3d: {  	_ =	swait.ge [sflag:s20], $0x2000  }
0x3e: {  	[sflag:s20] =	ssyncset.done $0x0  }
0x3f: {  	[sflag:s20] =	ssyncadd.s32 $0xFFFFE000  }
0x40: {  	[spmem:s14] =	stream.linear.scatter [tilespmem:s19], [sflag:$0x2], $0x2000, $0x38;
	[tilespmem:$0x1A100] =	vst v63  }
0x41: {  	_ =	swait.ge [sflag:s20], $0x2000  }
0x42: {  	[sflag:s20] =	ssyncset.done $0x0  }
0x43: {  	[sflag:s20] =	ssyncadd.s32 $0xFFFFE000  }
0x44: {  	s25 =	sadd.s32 $0x0, s18;
	[bflag:$0x0] =	sbarrier.arrive $0xFFFF  }
0x45: {  	[tilespmem:s3], [sflag:$0x2] =	stream.linear.gather [hbm4b:s25+s3], $0x80, $0x38;
	[tilespmem:$0x1A100] =	vst v63  }
0x46: {  	_ =	swait.ge [sflag:s20], $0x80  }
0x47: {  	[sflag:s20] =	ssyncset.done $0x0  }
0x48: {  	s31 =	sadd.s32 $0x0, s17;
	[sflag:s20] =	ssyncadd.s32 $0xFFFFFF80  }
0x49: {  	[tilespmem:s21], [sflag:$0x2] =	stream.linear.gather [hbm4b:s31+s3], $0x80, $0x38;
	[tilespmem:$0x1A100] =	vst v63  }
0x4a: {  	_ =	swait.ge [sflag:s20], $0x80  }
0x4b: {  	[sflag:s20] =	ssyncset.done $0x0  }
0x4c: {  	[sflag:s20] =	ssyncadd.s32 $0xFFFFFF80  }
0x4d: {  	[tilespmem:s22], [sflag:$0x1] =	stream.indirect.gather [hbm4b:s4+s21], $0x80, s3, s21, $0xb8;
	[tilespmem:$0x1A100] =	vst v63  }
0x4e: {  	_ =	swait.ge [sflag:s23], $0x4000  }
0x4f: {  	[sflag:s23] =	ssyncset.done $0x0  }
0x50: {  	[sflag:s23] =	ssyncadd.s32 $0xFFFFC000  }
0x51: {  	[spmem:s2] =	stream.indirect.scatter.add.f32 [tilespmem:s22], [sflag:$0x2], $0x80, s21, s21, $0xb8;
	[tilespmem:$0x1A100] =	vst v63  }
0x52: {  	_ =	swait.ge [sflag:s20], $0x4000  }
0x53: {  	s26 =	simm.s32 $0x20;
	s25 =	simm.s32 $0x10;
	[sflag:s20] =	ssyncset.done $0x0  }
.LBB2_4:
0x54: {  	s28 =	sadd.s32 s25, s18  }
0x55: {  	[sflag:s20] =	ssyncadd.s32 $0xFFFFC000;
	s29 =	smov.u32 s26;
	s30 =	sadd.s32 $0x10, s26  }
0x56: {  	[tilespmem:s3], [sflag:$0x2] =	stream.linear.gather [hbm4b:s28+s3], $0x80, $0x38;
	[tilespmem:$0x1A100] =	vst v63  }
0x57: {  	p0 =	sne.s32 s26, $0x4E0;
	_ =	swait.ge [sflag:s20], $0x80  }
0x58: {  	[sflag:s20] =	ssyncset.done $0x0  }
0x59: {  	s26 =	sadd.s32 s25, s17;
	s25 =	smov.u32 s29;
	[sflag:s20] =	ssyncadd.s32 $0xFFFFFF80  }
0x5a: {  	[tilespmem:s21], [sflag:$0x2] =	stream.linear.gather [hbm4b:s26+s3], $0x80, $0x38;
	[tilespmem:$0x1A100] =	vst v63  }
0x5b: {  	_ =	swait.ge [sflag:s20], $0x80  }
0x5c: {  	[sflag:s20] =	ssyncset.done $0x0  }
0x5d: {  	[sflag:s20] =	ssyncadd.s32 $0xFFFFFF80  }
0x5e: {  	[tilespmem:s22], [sflag:$0x1] =	stream.indirect.gather [hbm4b:s4+s21], $0x80, s3, s21, $0xb8;
	[tilespmem:$0x1A100] =	vst v63  }
0x5f: {  	_ =	swait.ge [sflag:s23], $0x4000  }
.Ltmp1:
0x60: {  	[sflag:s23] =	ssyncset.done $0x0;
	(pc) =	sbr.rel @p0 .LBB2_4-.Ltmp1, $4  }
0x61: {  	[sflag:s23] =	ssyncadd.s32 $0xFFFFC000  }
0x62: {  	[spmem:s2] =	stream.indirect.scatter.add.f32 [tilespmem:s22], [sflag:$0x2], $0x80, s21, s21, $0xb8;
	[tilespmem:$0x1A100] =	vst v63  }
0x63: {  	_ =	swait.ge [sflag:s20], $0x4000  }
0x64: {  	s26 =	smov.u32 s30;
	[sflag:s20] =	ssyncset.done $0x0  }
0x65: {  	s26 =	sadd.s32 s25, s18;
	[sflag:s20] =	ssyncadd.s32 $0xFFFFC000  }
0x66: {  	[tilespmem:s3], [sflag:$0x2] =	stream.linear.gather [hbm4b:s26+s3], $0x80, $0x38;
	[tilespmem:$0x1A100] =	vst v63  }
0x67: {  	_ =	swait.ge [sflag:s20], $0x80  }
0x68: {  	[sflag:s20] =	ssyncset.done $0x0  }
0x69: {  	s29 =	sadd.s32 s25, s17;
	[sflag:s20] =	ssyncadd.s32 $0xFFFFFF80  }
0x6a: {  	[tilespmem:s21], [sflag:$0x2] =	stream.linear.gather [hbm4b:s29+s3], $0x80, $0x38;
	[tilespmem:$0x1A100] =	vst v63  }
0x6b: {  	_ =	swait.ge [sflag:s20], $0x80  }
0x6c: {  	[sflag:s20] =	ssyncset.done $0x0  }
0x6d: {  	[sflag:s20] =	ssyncadd.s32 $0xFFFFFF80  }
0x6e: {  	[tilespmem:s22], [sflag:$0x1] =	stream.indirect.gather [hbm4b:s4+s21], $0x80, s3, s21, $0xb8;
	[tilespmem:$0x1A100] =	vst v63  }
0x6f: {  	_ =	swait.ge [sflag:s23], $0x4000  }
0x70: {  	[sflag:s23] =	ssyncset.done $0x0  }
0x71: {  	[sflag:s23] =	ssyncadd.s32 $0xFFFFC000  }
0x72: {  	[spmem:s2] =	stream.indirect.scatter.add.f32 [tilespmem:s22], [sflag:$0x2], $0x80, s21, s21, $0xb8;
	[tilespmem:$0x1A100] =	vst v63  }
0x73: {  	_ =	swait.ge [sflag:s20], $0x4000  }
0x74: {  	s30 =	sshll.u32 s0, $0x6;
	s24 =	sadd.s32 $0x1, s24;
	[sflag:s20] =	ssyncset.done $0x0  }
0x75: {  	s31 =	sshrl.u32 s5, $0x3;
	p0 =	sne.s32 s24, s16;
	[sflag:s20] =	ssyncadd.s32 $0xFFFFC000  }
.Ltmp2:
0x76: {  	s25 =	sor.u32 $0x1C02, s30;
	[bflag:$0x0] =	sbarrier.arrive $0xFFFF;
	(pc) =	sbr.rel @p0 .LBB2_1-.Ltmp2, $4  }
0x77: {  	[hbm:s15], [sflag:s25] =	dma.local [spmem:s31], $0x2800  }
0x78: {  	_ =	swait.ge [sflag:s20], $0x2800  }
0x79: {  	[sflag:s20] =	ssyncset.done $0x0  }
0x7a: {  	[sflag:s20] =	ssyncadd.s32 $0xFFFFD800  }
0x7b: {  	_ =	sfence.sel $0x180000  }
0x7c: {  	[bflag:$0x0] =	sbarrier.arrive $0xFFFF  }
0x7d: {  	p0 =	sne.s32 s0, $0x0;
	_ =	strace $0x9000004D  }
0x7e: {  	s0 =	sadd.s32 @!p0 $0x100000, s1;
	[bflag:$0x2] =	sbarrier.arrive $0xFFFF  }
0x7f: {  	[sflag:s0] =	ssyncadd.tile.s32 @!p0 $0x1;
	_ =	shalt  }
.Lfunc_end2:
_tile_overlayer_lowered:
.L_overlay_start_2:
0x80: {  	(tag) =	ssettag $0x2  }
0x81: {  	s0 =	rddreg [dreg:$0x0];
	s2 =	stileid.u32  }
0x82: {  	s1 =	rddreg [dreg:$0x1];
	p0 =	sne.s32 s2, $0x0  }
0x83: {  	s3 =	rddreg [dreg:$0x2];
	[bflag:$0x3] =	sbarrier.arrive $0xFFFF;
	s2 =	simm.s32 @!p0 $0x1C02  }
0x84: {  	[timem:s3], [sflag:s2] =	dma.local @!p0 [hbm:s0], s1  }
0x85: {  	s0 =	simm.s32 @!p0 $0x2  }
0x86: {  	_ =	swait.ge @!p0 [sflag:s0], s1  }
0x87: {  	s1 =	ssub.s32 @!p0 $0x0, s1;
	[sflag:s0] =	ssyncset.done @!p0 $0x0  }
0x88: {  	[sflag:s0] =	ssyncadd.s32 @!p0 s1  }
0x89: {  	[bflag:$0x3] =	sbarrier.arrive $0xFFFF  }
0x8a: {  	_ =	shalt  }

// kernel: kernel.8.cloned.1.call-start
scs
__scs_entry_jumppad:
0x0: {  	(pc) =	sbr.rel $0x88, $3  }
0x1: {  	(tag) =	ssettag $0x0;
	lr =	simm.s32 $0x1  }
0x2: {  	[smem:$0x3F9B] =	sst lr;
	_ =	strace $0xD0000000  }
0x3: {  	_ = 	snop  }
0x4: {  	_ = 	snop  }
0x5: {  	_ = 	snop  }
0x6: {  	_ = 	snop  }
0x7: {  	_ = 	snop  }
__scs_overlays_trampoline_lowered:
0x8: {  	[smem:$0x3FAA] =	sst s0  }
0x9: {  	[smem:$0x3FAB] =	sst s1  }
0xa: {  	[smem:$0x3FAC] =	sst s2  }
0xb: {  	[smem:$0x3FAD] =	sst s3  }
0xc: {  	[smem:$0x3FAE] =	sst s4  }
0xd: {  	[smem:$0x3FAF] =	sst s5  }
0xe: {  	[smem:$0x3FB0] =	sst s6  }
0xf: {  	[smem:$0x3FB1] =	sst s7  }
0x10: {  	[smem:$0x3FB2] =	sst s8  }
0x11: {  	[smem:$0x3FB3] =	sst s9;
	s0 =	simm.s32 @!p0 $0x0  }
0x12: {  	s1 =	sld [smem:$0x3F99];
	s0 =	simm.s32 @p0 $0x1  }
0x13: {  	[smem:$0x3FB4] =	sst s0;
	s0 =	simm.s32 @!p1 $0x0  }
0x14: {  	s2 =	sld [smem:$0x3F98];
	s0 =	simm.s32 @p1 $0x1  }
0x15: {  	[smem:$0x3FB5] =	sst s0;
	s0 =	simm.s32 @!p2 $0x0  }
0x16: {  	s3 =	sld [smem:$0x3FDB];
	s0 =	simm.s32 @p2 $0x1  }
0x17: {  	s4 =	simm.s32 $0x1BF5;
	[smem:$0x3FB7] =	sst s0  }
0x18: {  	s0 =	sld [smem:$0x3F9A];
	_ =	swait.ge [sflag:s4], $0x0  }
0x19: {  	s7 =	sld [smem:$0x3F9B]  }
0x1a: {  	s8 =	sadd.s32 $0xFFFFE003, lr  }
0x1b: {  	s9 =	sadd.s32 $0xFFFFFEF7, lr;
	s5 =	simm.s32 $0xFFFFFFFF;
	p2 =	slt.u32 s8, $0xFFFFF086  }
0x1c: {  	p1 =	slt.u32 s9, $0xF7A;
	s5 =	simm.s32 @!p2 $0x0  }
0x1d: {  	s5 =	simm.s32 @p1 $0x1;
	p0 =	seq.s32 s7, s2  }
0x1e: {  	s7 =	smul.u32 @!p0 $0xF7A, s2;
	p2 =	seq.s32 @!p0 s5, $0x0  }
0x1f: {  	s9 =	smul.u32 $0xF7A, s1;
	s8 =	simm.s32 @!p0 $0x1BF5;
	p2 =	por !p2, p0  }
0x20: {  	[sflag:s8] =	ssyncset.s32 @!p0 $0xFFFFF086;
	s6 =	sadd.s32 @!p0 s3, s7;
	s7 =	simm.s32 @!p0 $0x108  }
0x21: {  	s3 =	sadd.s32 s3, s9;
	s6 =	sadd.s32 @!p0 $0x88, s6;
	s7 =	simm.s32 @p2 $0x1082  }
0x22: {  	[simem:s7], [sflag:s8] =	dma.local @!p0 [hbm:s6], $0xF7A  }
0x23: {  	s9 =	sor.u32 $0xD0000000, s2;
	s6 =	simm.s32 $0x108;
	_ =	swait.ge @!p0 [sflag:s8], $0x0  }
0x24: {  	s3 =	sadd.s32 $0x88, s3;
	s6 =	simm.s32 @!p1 $0x1082;
	[sflag:s4] =	ssyncset.s32 $0xFFFFF086  }
0x25: {  	[simem:s6], [sflag:s4] =	dma.local [hbm:s3], $0xF7A  }
0x26: {  	[smem:$0x3F9B] =	sst s1;
	(tag) =	ssettag s2;
	_ =	strace s9  }
0x27: {  	s1 =	sld [smem:$0x3FAB]  }
0x28: {  	s2 =	sld [smem:$0x3FAC]  }
0x29: {  	s4 =	sld [smem:$0x3FAE]  }
0x2a: {  	p0 =	seq.s32 s5, $0x0;
	s5 =	sld [smem:$0x3FAF]  }
0x2b: {  	s6 =	sld [smem:$0x3FB0]  }
0x2c: {  	s7 =	sld [smem:$0x3FB1]  }
0x2d: {  	s3 =	simm.s32 $0x108;
	s8 =	sld [smem:$0x3FB2]  }
0x2e: {  	s3 =	simm.s32 @!p0 $0x1082;
	s9 =	sld [smem:$0x3FB3]  }
0x2f: {  	lr =	sadd.s32 s0, s3;
	s0 =	sld [smem:$0x3FAA]  }
0x30: {  	s3 =	sld [smem:$0x3FAD]  }
0x31: {  	[smem:$0x3FB6] =	sst s10  }
0x32: {  	s10 =	sld [smem:$0x3FB4];
	_ =	sdelay $0x3  }
0x33: {  	p0 =	seq.s32 s10, $0x1;
	s10 =	sld [smem:$0x3FB6];
	_ =	sdelay $0x3  }
0x34: {  	[smem:$0x3FB6] =	sst s10  }
0x35: {  	s10 =	sld [smem:$0x3FB5];
	_ =	sdelay $0x3  }
0x36: {  	p1 =	seq.s32 s10, $0x1;
	s10 =	sld [smem:$0x3FB6];
	_ =	sdelay $0x3  }
0x37: {  	[smem:$0x3FB6] =	sst s10  }
0x38: {  	s10 =	sld [smem:$0x3FB7]  }
0x39: {  	_ = 	snop;
	(pc) =	sbr.ind lr, $3  }
0x3a: {  	_ = 	snop  }
0x3b: {  	_ = 	snop  }
0x3c: {  	p2 =	seq.s32 s10, $0x1;
	s10 =	sld [smem:$0x3FB6]  }
0x3d: {  	_ =	shalt  }
0x3e: {  	_ =	shalt  }
0x3f: {  	_ =	shalt  }
0x40: {  	_ =	shalt  }
0x41: {  	_ =	shalt  }
0x42: {  	_ =	shalt  }
0x43: {  	_ =	shalt  }
0x44: {  	_ =	shalt  }
0x45: {  	_ =	shalt  }
0x46: {  	_ =	shalt  }
0x47: {  	_ =	shalt  }
0x48: {  	_ =	shalt  }
0x49: {  	_ =	shalt  }
0x4a: {  	_ =	shalt  }
0x4b: {  	_ =	shalt  }
0x4c: {  	_ =	shalt  }
0x4d: {  	_ =	shalt  }
0x4e: {  	_ =	shalt  }
0x4f: {  	_ =	shalt  }
0x50: {  	_ =	shalt  }
0x51: {  	_ =	shalt  }
0x52: {  	_ =	shalt  }
0x53: {  	_ =	shalt  }
0x54: {  	_ =	shalt  }
0x55: {  	_ =	shalt  }
0x56: {  	_ =	shalt  }
0x57: {  	_ =	shalt  }
0x58: {  	_ =	shalt  }
0x59: {  	_ =	shalt  }
0x5a: {  	_ =	shalt  }
0x5b: {  	_ =	shalt  }
0x5c: {  	_ =	shalt  }
0x5d: {  	_ =	shalt  }
0x5e: {  	_ =	shalt  }
0x5f: {  	_ =	shalt  }
0x60: {  	_ =	shalt  }
0x61: {  	_ =	shalt  }
0x62: {  	_ =	shalt  }
0x63: {  	_ =	shalt  }
0x64: {  	_ =	shalt  }
0x65: {  	_ =	shalt  }
0x66: {  	_ =	shalt  }
0x67: {  	_ =	shalt  }
0x68: {  	_ =	shalt  }
0x69: {  	_ =	shalt  }
0x6a: {  	_ =	shalt  }
0x6b: {  	_ =	shalt  }
0x6c: {  	_ =	shalt  }
0x6d: {  	_ =	shalt  }
0x6e: {  	_ =	shalt  }
0x6f: {  	_ =	shalt  }
0x70: {  	_ =	shalt  }
0x71: {  	_ =	shalt  }
0x72: {  	_ =	shalt  }
0x73: {  	_ =	shalt  }
0x74: {  	_ =	shalt  }
0x75: {  	_ =	shalt  }
0x76: {  	_ =	shalt  }
0x77: {  	_ =	shalt  }
0x78: {  	_ =	shalt  }
0x79: {  	_ =	shalt  }
0x7a: {  	_ =	shalt  }
0x7b: {  	_ =	shalt  }
0x7c: {  	_ =	shalt  }
0x7d: {  	_ =	shalt  }
0x7e: {  	_ =	shalt  }
0x7f: {  	_ =	shalt  }
0x80: {  	_ =	shalt  }
0x81: {  	_ =	shalt  }
0x82: {  	_ =	shalt  }
0x83: {  	_ =	shalt  }
0x84: {  	_ =	shalt  }
0x85: {  	_ =	shalt  }
0x86: {  	_ =	shalt  }
0x87: {  	_ =	shalt  }
.Lfunc_end0:
.L_simem_size_0:
called_computation_lowered:
.L_overlay_start_0:
0x88: {  	s2 =	sld [smem:$0x3FD9]  }
0x89: {  	s3 =	sld [smem:$0x3FFE];
	_ =	sdelay $0x1  }
0x8a: {  	s1 =	srdreg.scid  }
0x8b: {  	s0 =	sand.u32 $0x1, s1  }
0x8c: {  	s17 =	sshll.u32 s0, $0xA;
	s2 =	sadd.s32 s3, s2  }
0x8d: {  	s2 =	sadd.s32 s2, s17  }
0x8e: {  	[smem:$0x3FC2] =	sst s2  }
0x8f: {  	_ = 	snop  }
0x90: {  	s2 =	sld [smem:$0x3FD0];
	(tm) =	ssettm $0x1  }
0x91: {  	s18 =	sld [smem:$0x3FFB];
	_ =	sdelay $0x3  }
0x92: {  	_ =	strace s18  }
0x93: {  	s3 =	sld [smem:$0x3FFC];
	_ =	sdelay $0x3  }
0x94: {  	_ =	strace s3  }
0x95: {  	s3 =	sld [smem:$0x3FFD];
	_ =	sdelay $0x3  }
0x96: {  	_ =	strace s3  }
0x97: {  	_ =	strace $0x8FFFFFFF  }
0x98: {  	s19 =	sld [smem:$0x3FDB];
	_ =	sdelay $0x1  }
0x99: {  	s4 =	simm.s32 $_scs_section_size  }
0x9a: {  	s5 =	simm.s32 $_size__tile_overlayer_lowered;
	s6 =	simm.s32 $_tile_overlayer_lowered  }
0x9b: {  	s22 =	simm.s32 $0x1BFF;
	s21 =	sshll.u32 s6, $0x1;
	s3 =	sadd.s32 s4, s19  }
0x9c: {  	s7 =	simm.s32 $0x0;
	s20 =	sshll.u32 s5, $0x1;
	s5 =	sadd.s32 s21, s3  }
0x9d: {  	[timem:s7], [sflag:s22] =	dma.local [hbm:s5], s20  }
0x9e: {  	_ =	swait.ge [sflag:s22], s20  }
0x9f: {  	s4 =	ssub.s32 $0x0, s20;
	[sflag:s22] =	ssyncset.done $0x0  }
0xa0: {  	[sflag:s22] =	ssyncadd.s32 s4;
	_ =	sdelay $0x1  }
0xa1: {  	s23 =	simm.s32 $0x1B8B  }
0xa2: {  	_ =	swait.ge [sflag:s23], $0x1  }
0xa3: {  	[sflag:s23] =	ssyncset.done $0x0  }
0xa4: {  	s25 =	simm.s32 $0x1B8E;
	s24 =	sld [smem:$0x3FFE];
	[sflag:s23] =	ssyncadd.s32 $0xFFFFFFFF  }
0xa5: {  	s26 =	simm.s32 $execute0_lowered;
	[smem:$0x3FD2] =	sst s25  }
0xa6: {  	s5 =	sshll.u32 s26, $0x1;
	_ =	strace $0x80000046;
	[dreg:$0x1] =	wrdreg $0xFFFFFFFF  }
0xa7: {  	s28 =	simm.s32 $_size_execute0_lowered;
	s3 =	sadd.s32 s3, s5;
	[dreg:$0x0] =	wrdreg $0x0  }
0xa8: {  	s5 =	sshll.u32 s28, $0x1;
	[dreg:$0x2] =	wrdreg s3  }
0xa9: {  	[dreg:$0x3] =	wrdreg s5  }
0xaa: {  	[dreg:$0x4] =	wrdreg $0xC0  }
0xab: {  	_ =	task [dreg:s7], $0x5FFFF  }
0xac: {  	[dreg:$0x1] =	wrdreg $0xFFFFFFFF  }
0xad: {  	[dreg:$0x0] =	wrdreg $0x60  }
0xae: {  	[dreg:$0x2] =	wrdreg s2  }
0xaf: {  	[dreg:$0x3] =	wrdreg s24  }
0xb0: {  	[dreg:$0x4] =	wrdreg $0x60800  }
0xb1: {  	[dreg:$0x5] =	wrdreg $0x9  }
0xb2: {  	_ =	task.clear_ibuf [dreg:s7], $0x6FFFF;
	_ =	strace $0x90000046  }
0xb3: {  	s29 =	simm.s32 $0x9;
	_ =	strace $0x80000048  }
0xb4: {  	_ =	swait.ge [sflag:s29], $0x1  }
0xb5: {  	[sflag:s29] =	ssyncadd.s32 $0xFFFFFFFF  }
0xb6: {  	_ =	strace $0x90000048  }
0xb7: {  	_ =	sfence  }
0xb8: {  	s30 =	sld [smem:$0x0];
	_ =	sdelay $0x2  }
0xb9: {  	s31 =	sshll.u32 s1, $0xD;
	s1 =	sshrl.u32 s1, $0x2  }
0xba: {  	s3 =	sand.u32 $0x4000, s31;
	s1 =	sadd.s32 s1, s30  }
0xbb: {  	s0 =	sor.u32 s3, s0;
	s1 =	sshll.u32 s1, $0x11  }
0xbc: {  	s0 =	sor.u32 s1, s0  }
0xbd: {  	s0 =	sadd.s32 $0x8F2B, s0  }
0xbe: {  	[sflag:s0] =	ssyncadd.remote.s32 $0x1  }
0xbf: {  	_ =	sfence.sel $0xFFFF  }
0xc0: {  	[dreg:$0x0] =	wrdreg $0xFFFFFFFF;
	(pc) =	sbr.abs _section_cstart, $3  }
0xc1: {  	[dreg:$0x1] =	wrdreg $0xFFFFFFFF  }
0xc2: {  	_ =	task.clear_ibuf [dreg:s7], $0x2FFFF;
	_ =	strace $0x9FFFFFFF  }
0xc3: {  	(tm) =	ssettm $0x7FFFFFFF  }
tec
execute0_lowered:
.L_overlay_start_1:
0x0: {  	(tag) =	ssettag $0x1  }
0x1: {  	s15 =	rddreg [dreg:$0x0]  }
0x2: {  	s5 =	rddreg [dreg:$0x1]  }
0x3: {  	s0 =	srdreg.scid;
	s1 =	stileid.u32  }
0x4: {  	s2 =	rddreg [dreg:$0x2];
	s3 =	simm.s32 $0x0;
	s6 =	smul.u32 $0x14000, s1  }
0x5: {  	s19 =	simm.s32 $0x80;
	s22 =	simm.s32 $0x0;
	s7 =	smul.u32 $0x50000, s1  }
0x6: {  	s13 =	sand.u32 $0x1, s0;
	s0 =	rddreg [dreg:$0x3];
	s17 =	smul.u32 $0x9E0, s1  }
0x7: {  	[smem:$0x7FF] =	sst s3;
	s20 =	sshll.u32 s1, $0x6;
	s4 =	smul.u32 $0x140000, s13  }
0x8: {  	_ =	strace $0x80000047;
	s31 =	ssub.s32 $0x2, s13;
	s18 =	smul.u32 $0x4F0, s13  }
0x9: {  	s20 =	sor.u32 $0x1C01, s20;
	s7 =	sshrl.u32 s7, $0x2;
	s9 =	sshrl.u32 s31, $0x1  }
0xa: {  	s17 =	sadd.s32 s17, s15;
	s4 =	sadd.s32 s6, s4;
	s16 =	ssub.s32 s31, s9  }
0xb: {  	s8 =	sshrl.u32 s4, $0x3;
	s4 =	sadd.s32 s7, s2;
	s15 =	smax.u32 s16, $0x1  }
0xc: {  	s16 =	sadd.s32 s18, s17;
	s17 =	simm.s32 $0x4080;
	s18 =	simm.s32 $0x1  }
0xd: {  	s14 =	sadd.s32 s8, s5;
	s5 =	sadd.s32 $0x2000, s4;
	s6 =	sadd.s32 $0x4000, s4  }
0xe: {  	s7 =	sadd.s32 $0x6000, s4;
	s8 =	sadd.s32 $0x8000, s4;
	s9 =	sadd.s32 $0xA000, s4  }
0xf: {  	s10 =	sadd.s32 $0xC000, s4;
	s11 =	sadd.s32 $0xE000, s4;
	s12 =	sadd.s32 $0x10000, s4  }
0x10: {  	v0 =	vimm.f32 $0.0e+00;
	v1 =	vimm.f32 $1.000000000e+00;
	s13 =	sadd.s32 $0x12000, s4;
	s21 =	sshrl.u32 s4, $0x3;
	s14 =	sadd.s32 $0x1E00, s14  }
.LBB2_1:
0x11: {  	s23 =	sand.u32 $0x1F80, s3  }
0x12: {  	[tilespmem:s23+$0x4080] =	vst v0  }
0x13: {  	s24 =	simm.s32 $0x80;
	s23 =	simm.s32 $0x80;
	[tilespmem:s19+$0x0] =	vst v1  }
.LBB2_2:
0x14: {  	p0 =	sne.s32 s23, $0x3F80  }
.Ltmp0:
0x15: {  	_ = 	snop;
	(pc) =	sbr.rel @p0 .LBB2_2-.Ltmp0, $4  }
0x16: {  	_ = 	snop  }
0x17: {  	s25 =	sand.u32 $0x1F80, s23  }
0x18: {  	s23 =	sadd.s32 $0x80, s23;
	s24 =	sadd.s32 $0x80, s24;
	[tilespmem:s25+$0x4080] =	vst v0  }
0x19: {  	[tilespmem:s24+$0x0] =	vst v1  }
0x1a: {  	[spmem:s4] =	stream.linear.scatter [tilespmem:s17], [sflag:$0x1], $0x2000, $0x38;
	[tilespmem:$0x8880] =	vst v63  }
0x1b: {  	_ =	swait.ge [sflag:s18], $0x2000  }
0x1c: {  	[sflag:s18] =	ssyncset.done $0x0  }
0x1d: {  	[sflag:s18] =	ssyncadd.s32 $0xFFFFE000  }
0x1e: {  	[spmem:s5] =	stream.linear.scatter [tilespmem:s17], [sflag:$0x1], $0x2000, $0x38;
	[tilespmem:$0x8880] =	vst v63  }
0x1f: {  	_ =	swait.ge [sflag:s18], $0x2000  }
0x20: {  	[sflag:s18] =	ssyncset.done $0x0  }
0x21: {  	[sflag:s18] =	ssyncadd.s32 $0xFFFFE000  }
0x22: {  	[spmem:s6] =	stream.linear.scatter [tilespmem:s17], [sflag:$0x1], $0x2000, $0x38;
	[tilespmem:$0x8880] =	vst v63  }
0x23: {  	_ =	swait.ge [sflag:s18], $0x2000  }
0x24: {  	[sflag:s18] =	ssyncset.done $0x0  }
0x25: {  	[sflag:s18] =	ssyncadd.s32 $0xFFFFE000  }
0x26: {  	[spmem:s7] =	stream.linear.scatter [tilespmem:s17], [sflag:$0x1], $0x2000, $0x38;
	[tilespmem:$0x8880] =	vst v63  }
0x27: {  	_ =	swait.ge [sflag:s18], $0x2000  }
0x28: {  	[sflag:s18] =	ssyncset.done $0x0  }
0x29: {  	[sflag:s18] =	ssyncadd.s32 $0xFFFFE000  }
0x2a: {  	[spmem:s8] =	stream.linear.scatter [tilespmem:s17], [sflag:$0x1], $0x2000, $0x38;
	[tilespmem:$0x8880] =	vst v63  }
0x2b: {  	_ =	swait.ge [sflag:s18], $0x2000  }
0x2c: {  	[sflag:s18] =	ssyncset.done $0x0  }
0x2d: {  	[sflag:s18] =	ssyncadd.s32 $0xFFFFE000  }
0x2e: {  	[spmem:s9] =	stream.linear.scatter [tilespmem:s17], [sflag:$0x1], $0x2000, $0x38;
	[tilespmem:$0x8880] =	vst v63  }
0x2f: {  	_ =	swait.ge [sflag:s18], $0x2000  }
0x30: {  	[sflag:s18] =	ssyncset.done $0x0  }
0x31: {  	[sflag:s18] =	ssyncadd.s32 $0xFFFFE000  }
0x32: {  	[spmem:s10] =	stream.linear.scatter [tilespmem:s17], [sflag:$0x1], $0x2000, $0x38;
	[tilespmem:$0x8880] =	vst v63  }
0x33: {  	_ =	swait.ge [sflag:s18], $0x2000  }
0x34: {  	[sflag:s18] =	ssyncset.done $0x0  }
0x35: {  	[sflag:s18] =	ssyncadd.s32 $0xFFFFE000  }
0x36: {  	[spmem:s11] =	stream.linear.scatter [tilespmem:s17], [sflag:$0x1], $0x2000, $0x38;
	[tilespmem:$0x8880] =	vst v63  }
0x37: {  	_ =	swait.ge [sflag:s18], $0x2000  }
0x38: {  	[sflag:s18] =	ssyncset.done $0x0  }
0x39: {  	[sflag:s18] =	ssyncadd.s32 $0xFFFFE000  }
0x3a: {  	[spmem:s12] =	stream.linear.scatter [tilespmem:s17], [sflag:$0x1], $0x2000, $0x38;
	[tilespmem:$0x8880] =	vst v63  }
0x3b: {  	_ =	swait.ge [sflag:s18], $0x2000  }
0x3c: {  	[sflag:s18] =	ssyncset.done $0x0  }
0x3d: {  	[sflag:s18] =	ssyncadd.s32 $0xFFFFE000  }
0x3e: {  	[spmem:s13] =	stream.linear.scatter [tilespmem:s17], [sflag:$0x1], $0x2000, $0x38;
	[tilespmem:$0x8880] =	vst v63  }
0x3f: {  	_ =	swait.ge [sflag:s18], $0x2000  }
0x40: {  	[sflag:s18] =	ssyncset.done $0x0  }
0x41: {  	[sflag:s18] =	ssyncadd.s32 $0xFFFFE000  }
0x42: {  	s23 =	sadd.s32 $0x0, s16;
	[bflag:$0x0] =	sbarrier.arrive $0xFFFF  }
0x43: {  	[tilespmem:s3], [sflag:$0x1] =	stream.linear.gather [hbm4b:s23+s3], $0x80, $0x38;
	[tilespmem:$0x8880] =	vst v63  }
0x44: {  	_ =	swait.ge [sflag:s18], $0x80  }
0x45: {  	[sflag:s18] =	ssyncset.done $0x0  }
0x46: {  	[sflag:s18] =	ssyncadd.s32 $0xFFFFFF80  }
0x47: {  	[spmem:s2] =	stream.indirect.scatter.add.f32 [tilespmem:s19], [sflag:$0x1], $0x10, s3, s19, $0xb8;
	[tilespmem:$0x8880] =	vst v63  }
0x48: {  	_ =	swait.ge [sflag:s18], $0x800  }
0x49: {  	s24 =	simm.s32 $0x20;
	s23 =	simm.s32 $0x10;
	[sflag:s18] =	ssyncset.done $0x0  }
.LBB2_4:
0x4a: {  	s25 =	sadd.s32 s23, s16  }
0x4b: {  	[sflag:s18] =	ssyncadd.s32 $0xFFFFF800;
	s23 =	smov.u32 s24;
	s26 =	sadd.s32 $0x10, s24  }
0x4c: {  	[tilespmem:s3], [sflag:$0x1] =	stream.linear.gather [hbm4b:s25+s3], $0x80, $0x38;
	[tilespmem:$0x8880] =	vst v63  }
0x4d: {  	p0 =	sne.s32 s24, $0x4E0;
	_ =	swait.ge [sflag:s18], $0x80  }
.Ltmp1:
0x4e: {  	[sflag:s18] =	ssyncset.done $0x0;
	(pc) =	sbr.rel @p0 .LBB2_4-.Ltmp1, $4  }
0x4f: {  	[sflag:s18] =	ssyncadd.s32 $0xFFFFFF80  }
0x50: {  	[spmem:s2] =	stream.indirect.scatter.add.f32 [tilespmem:s19], [sflag:$0x1], $0x10, s3, s19, $0xb8;
	[tilespmem:$0x8880] =	vst v63  }
0x51: {  	_ =	swait.ge [sflag:s18], $0x800  }
0x52: {  	s24 =	smov.u32 s26;
	[sflag:s18] =	ssyncset.done $0x0  }
0x53: {  	s23 =	sadd.s32 s23, s16;
	[sflag:s18] =	ssyncadd.s32 $0xFFFFF800  }
0x54: {  	[tilespmem:s3], [sflag:$0x1] =	stream.linear.gather [hbm4b:s23+s3], $0x80, $0x38;
	[tilespmem:$0x8880] =	vst v63  }
0x55: {  	_ =	swait.ge [sflag:s18], $0x80  }
0x56: {  	[sflag:s18] =	ssyncset.done $0x0  }
0x57: {  	[sflag:s18] =	ssyncadd.s32 $0xFFFFFF80  }
0x58: {  	[spmem:s2] =	stream.indirect.scatter.add.f32 [tilespmem:s19], [sflag:$0x1], $0x10, s3, s19, $0xb8;
	[tilespmem:$0x8880] =	vst v63  }
0x59: {  	_ =	swait.ge [sflag:s18], $0x800  }
0x5a: {  	s22 =	sadd.s32 $0x1, s22;
	[sflag:s18] =	ssyncset.done $0x0  }
0x5b: {  	p0 =	sne.s32 s22, s15;
	[sflag:s18] =	ssyncadd.s32 $0xFFFFF800  }
.Ltmp2:
0x5c: {  	[bflag:$0x0] =	sbarrier.arrive $0xFFFF;
	(pc) =	sbr.rel @p0 .LBB2_1-.Ltmp2, $4  }
0x5d: {  	[hbm:s14], [sflag:s20] =	dma.local [spmem:s21], $0x2800  }
0x5e: {  	_ =	swait.ge [sflag:s18], $0x2800  }
0x5f: {  	[sflag:s18] =	ssyncset.done $0x0  }
0x60: {  	[sflag:s18] =	ssyncadd.s32 $0xFFFFD800  }
0x61: {  	_ =	sfence.sel $0x180000  }
0x62: {  	[bflag:$0x0] =	sbarrier.arrive $0xFFFF  }
0x63: {  	p0 =	sne.s32 s1, $0x0;
	_ =	strace $0x90000047  }
0x64: {  	s0 =	sadd.s32 @!p0 $0x100000, s0;
	[bflag:$0x2] =	sbarrier.arrive $0xFFFF  }
0x65: {  	[sflag:s0] =	ssyncadd.tile.s32 @!p0 $0x1;
	_ =	shalt  }
.Lfunc_end2:
_tile_overlayer_lowered:
.L_overlay_start_2:
0x66: {  	(tag) =	ssettag $0x2  }
0x67: {  	s0 =	rddreg [dreg:$0x0];
	s2 =	stileid.u32  }
0x68: {  	s1 =	rddreg [dreg:$0x1];
	p0 =	sne.s32 s2, $0x0  }
0x69: {  	s3 =	rddreg [dreg:$0x2];
	[bflag:$0x3] =	sbarrier.arrive $0xFFFF;
	s2 =	simm.s32 @!p0 $0x1C01  }
0x6a: {  	[timem:s3], [sflag:s2] =	dma.local @!p0 [hbm:s0], s1  }
0x6b: {  	s0 =	simm.s32 @!p0 $0x1  }
0x6c: {  	_ =	swait.ge @!p0 [sflag:s0], s1  }
0x6d: {  	s1 =	ssub.s32 @!p0 $0x0, s1;
	[sflag:s0] =	ssyncset.done @!p0 $0x0  }
0x6e: {  	[sflag:s0] =	ssyncadd.s32 @!p0 s1  }
0x6f: {  	[bflag:$0x3] =	sbarrier.arrive $0xFFFF  }
0x70: {  	_ =	shalt  }

</sc_bundles>
